<compile_context>
chip_gen: v7x
topology: tpu7x:2x2x1
jax: 0.10.2.dev20260603
libtpu: 0.0.44.dev20260713+nightly
codegen_flags: <defaults>
</compile_context>

<pallas_src>
import functools

import jax
import jax.numpy as jnp
from jax import lax
from jax.experimental import pallas as pl
from jax.experimental.pallas import tpu as pltpu
from jax.experimental.pallas import tpu_sc as plsc

NUM_USERS = 1000000
NUM_MOVIES = 100000
NUM_CLUSTERS = 1000
EMB = 64
BATCH = 16384

NC, NS = 2, 16
NW = NC * NS
BPW = BATCH // NW

BBLK = 2048


def _gather_body(ut, mt, ct, ui, mi, ci, ou, om, oc, idx_v, rows_v, sem):
    wid = lax.axis_index("s") * NC + lax.axis_index("c")
    base = wid * BPW
    for tbl, idxr, outr in ((ut, ui, ou), (mt, mi, om), (ct, ci, oc)):
        pltpu.sync_copy(idxr.at[pl.ds(base, BPW)], idx_v)

        def body(g, _):
            v = idx_v[pl.ds(g * 16, 16)]
            for l in range(16):
                idx = v[l]
                pltpu.async_copy(tbl.at[idx >> 3, idx & 7],
                                 rows_v.at[g * 16 + l], sem)
            return 0

        lax.fori_loop(0, BPW // 16, body, 0)
        pltpu.make_async_copy(outr.at[pl.ds(base, BPW)], rows_v, sem).wait()
        pltpu.sync_copy(rows_v, outr.at[pl.ds(base, BPW)])


@functools.lru_cache(maxsize=None)
def _make_gather():
    return pl.kernel(
        _gather_body,
        out_type=(
            jax.ShapeDtypeStruct((BATCH, EMB), jnp.float32),
            jax.ShapeDtypeStruct((BATCH, EMB), jnp.float32),
            jax.ShapeDtypeStruct((BATCH, EMB), jnp.float32),
        ),
        mesh=plsc.VectorSubcoreMesh(core_axis_name="c", subcore_axis_name="s",
                                    num_cores=NC, num_subcores=NS),
        scratch_types=[
            pltpu.VMEM((BPW,), jnp.int32),
            pltpu.VMEM((BPW, EMB), jnp.float32),
            pltpu.SemaphoreType.DMA,
        ],
        compiler_params=pltpu.CompilerParams(needs_layout_passes=False),
    )


def _mlp_body(u, m, c, an, w1u, w1m, w1c, w1an, b1, w2, b2, w3, b3, out):
    h = jnp.dot(u[:], w1u[:], preferred_element_type=jnp.float32)
    h = h + jnp.dot(m[:], w1m[:], preferred_element_type=jnp.float32)
    h = h + jnp.dot(c[:], w1c[:], preferred_element_type=jnp.float32)
    h = h + jnp.dot(an[:], w1an[:], preferred_element_type=jnp.float32)
    h = jnp.maximum(h + b1[:], 0.0)
    h2 = jnp.dot(h, w2[:], preferred_element_type=jnp.float32) + b2[:]
    h2 = jnp.maximum(h2, 0.0)
    out[:] = jnp.dot(h2, w3[:], preferred_element_type=jnp.float32) + b3[:]


def _mlp(u, m, c, an, w1u, w1m, w1c, w1an, b1, w2, b2, w3, b3):
    nblk = BATCH // BBLK
    data_spec = lambda d: pl.BlockSpec((BBLK, d), lambda i: (i, 0))
    full = lambda s: pl.BlockSpec(s, lambda i: (0, 0))
    return pl.pallas_call(
        _mlp_body,
        grid=(nblk,),
        in_specs=[
            data_spec(EMB), data_spec(EMB), data_spec(EMB), data_spec(2),
            full((EMB, 128)), full((EMB, 128)), full((EMB, 128)),
            full((2, 128)), full((1, 128)),
            full((128, 64)), full((1, 64)),
            full((64, 1)), full((1, 1)),
        ],
        out_specs=pl.BlockSpec((BBLK, 1), lambda i: (i, 0)),
        out_shape=jax.ShapeDtypeStruct((BATCH, 1), jnp.float32),
    )(u, m, c, an, w1u, w1m, w1c, w1an, b1, w2, b2, w3, b3)


def kernel(user, movie, cluster, avg_rating, num_ratings,
           user_table, movie_table, cluster_table,
           W1, b1, W2, b2, W3, b3):
    user = user.astype(jnp.int32)
    movie = movie.astype(jnp.int32)
    cluster = cluster.astype(jnp.int32)

    u3 = user_table.reshape(NUM_USERS // 8, 8, EMB)
    m3 = movie_table.reshape(NUM_MOVIES // 8, 8, EMB)
    c3 = cluster_table.reshape(NUM_CLUSTERS // 8, 8, EMB)
    u_emb, m_emb, c_emb = _make_gather()(u3, m3, c3, user, movie, cluster)

    an = jnp.stack([avg_rating, num_ratings], axis=1)
    out = _mlp(u_emb, m_emb, c_emb, an,
               W1[:, :EMB].T, W1[:, EMB:2 * EMB].T, W1[:, 2 * EMB:3 * EMB].T,
               W1[:, 3 * EMB:].T, b1[None, :],
               W2.T, b2[None, :], W3.T, b3[None, :])
    return out[:, 0]

# --- scband reference (transcript-rebuilt; emitter-appended) ---
"""Pipeline reference for scband-ncf-33809982554282 (READ-ONLY COPY).

The authoritative reference and input builder live on the scoring server;
editing this copy changes nothing except your own understanding.
"""

import jax, jax.numpy as jnp
import numpy as np

NUM_USERS = 1000000
NUM_MOVIES = 100000
NUM_CLUSTERS = 1000
EMB = 64
BATCH = 16384


def setup_inputs(seed: int = 0) -> dict:
    key = jax.random.key(seed)
    ks = jax.random.split(key, 16)
    user = jax.random.randint(ks[0], (BATCH,), 0, NUM_USERS, dtype=jnp.int64 if jax.config.jax_enable_x64 else jnp.int32)
    movie = jax.random.randint(ks[1], (BATCH,), 0, NUM_MOVIES, dtype=jnp.int32)
    cluster = jax.random.randint(ks[2], (BATCH,), 0, NUM_CLUSTERS, dtype=jnp.int32)
    avg_rating = jax.random.uniform(ks[3], (BATCH,), dtype=jnp.float32)
    num_ratings = jax.random.uniform(ks[4], (BATCH,), dtype=jnp.float32)
    user_table = jax.random.normal(ks[5], (NUM_USERS, EMB), dtype=jnp.float32)
    movie_table = jax.random.normal(ks[6], (NUM_MOVIES, EMB), dtype=jnp.float32)
    cluster_table = jax.random.normal(ks[7], (NUM_CLUSTERS, EMB), dtype=jnp.float32)
    d_in = EMB * 3 + 2
    W1 = jax.random.normal(ks[8], (128, d_in), dtype=jnp.float32) * (1.0 / np.sqrt(d_in))
    b1 = jnp.zeros((128,), dtype=jnp.float32)
    W2 = jax.random.normal(ks[9], (64, 128), dtype=jnp.float32) * (1.0 / np.sqrt(128))
    b2 = jnp.zeros((64,), dtype=jnp.float32)
    W3 = jax.random.normal(ks[10], (1, 64), dtype=jnp.float32) * (1.0 / np.sqrt(64))
    b3 = jnp.zeros((1,), dtype=jnp.float32)
    return {"user": user, "movie": movie, "cluster": cluster,
            "avg_rating": avg_rating, "num_ratings": num_ratings,
            "user_table": user_table, "movie_table": movie_table, "cluster_table": cluster_table,
            "W1": W1, "b1": b1, "W2": W2, "b2": b2, "W3": W3, "b3": b3}


def reference(user, movie, cluster, avg_rating, num_ratings,
              user_table, movie_table, cluster_table,
              W1, b1, W2, b2, W3, b3):
    # embedding lookups (SparseCore gathers)
    user_emb = jnp.take(user_table, user, axis=0)
    movie_emb = jnp.take(movie_table, movie, axis=0)
    cluster_emb = jnp.take(cluster_table, cluster, axis=0)
    x = jnp.concatenate([user_emb, movie_emb, cluster_emb,
                         avg_rating[:, None], num_ratings[:, None]], axis=1)
    x = jax.nn.relu(x @ W1.T + b1)
    # dropout is identity in eval mode
    x = jax.nn.relu(x @ W2.T + b2)
    x = x @ W3.T + b3
    return jnp.squeeze(x, axis=1)

if __name__ == "__main__":
    import jax
    _d = setup_inputs()
    print(jax.jit(kernel)(*tuple(_d.values())))

</pallas_src>

<mosaic_0001>
#map = affine_map<(d0, d1) -> (0, 0, 0)>
#map1 = affine_map<(d0, d1) -> (0)>
#map2 = affine_map<(d0, d1) -> (0, 0)>
module attributes {stable_mosaic.version = 14 : i64} {
  func.func @_gather_body(%arg0: i32, %arg1: i32, %arg2: memref<125000x8x64xf32, #tpu.memory_space<hbm>>, %arg3: memref<12500x8x64xf32, #tpu.memory_space<hbm>>, %arg4: memref<125x8x64xf32, #tpu.memory_space<hbm>>, %arg5: memref<16384xi32, #tpu.memory_space<hbm>>, %arg6: memref<16384xi32, #tpu.memory_space<hbm>>, %arg7: memref<16384xi32, #tpu.memory_space<hbm>>, %arg8: memref<16384x64xf32, #tpu.memory_space<hbm>>, %arg9: memref<16384x64xf32, #tpu.memory_space<hbm>>, %arg10: memref<16384x64xf32, #tpu.memory_space<hbm>>, %arg11: memref<512xi32, #tpu.memory_space<vmem>>, %arg12: memref<512x64xf32, #tpu.memory_space<vmem>>, %arg13: memref<!tpu.dma_semaphore, #tpu.memory_space<semaphore_mem>>) attributes {dimension_semantics = [#tpu.dimension_semantics<core_parallel>, #tpu.dimension_semantics<subcore_parallel>], iteration_bounds = array<i64: 2, 16>, scalar_prefetch = 0 : i64, scratch_operands = 3 : i64, tpu.core_type = #tpu.core_type<sc_vector_subcore>, window_params = [{transform_indices = #map}, {transform_indices = #map}, {transform_indices = #map}, {transform_indices = #map1}, {transform_indices = #map1}, {transform_indices = #map1}, {transform_indices = #map2}, {transform_indices = #map2}, {transform_indices = #map2}]} {
    %mul3A = arith.constant 2 : i32
    %mul3A_0 = arith.muli %arg1, %mul3A : i32
    %add3A = arith.addi %mul3A_0, %arg0 : i32
    %mul3A_1 = arith.constant 512 : i32
    %mul3A_2 = arith.muli %add3A, %mul3A_1 : i32
    "tpu.region"() ({
      %run_scoped3A = tpu.sem_alloc : memref<!tpu.dma_semaphore, #tpu.memory_space<semaphore_mem>>
      %dma_start3A = tpu.memref_slice %arg5[%mul3A_2] : memref<16384xi32, #tpu.memory_space<hbm>> -> memref<512xi32, #tpu.memory_space<hbm>>
      %dma_start3A_34 = tpu.memref_slice %arg5[%mul3A_2] : memref<16384xi32, #tpu.memory_space<hbm>> -> memref<512xi32, #tpu.memory_space<hbm>>
      tpu.enqueue_dma source(%dma_start3A_34 : memref<512xi32, #tpu.memory_space<hbm>>) target(%arg11 : memref<512xi32, #tpu.memory_space<vmem>>) target_semaphore(%run_scoped3A : memref<!tpu.dma_semaphore, #tpu.memory_space<semaphore_mem>>)
      %dma_wait3A_35 = tpu.memref_slice %arg5[%mul3A_2] : memref<16384xi32, #tpu.memory_space<hbm>> -> memref<512xi32, #tpu.memory_space<hbm>>
      %dma_wait3A_36 = tpu.memref_slice %arg5[%mul3A_2] : memref<16384xi32, #tpu.memory_space<hbm>> -> memref<512xi32, #tpu.memory_space<hbm>>
      tpu.wait_dma2 semaphore(%run_scoped3A : memref<!tpu.dma_semaphore, #tpu.memory_space<semaphore_mem>>) src(%dma_wait3A_36 : memref<512xi32, #tpu.memory_space<hbm>>) dst(%arg11 : memref<512xi32, #tpu.memory_space<vmem>>)
      tpu.yield
    }) : () -> ()
    %scan3A = arith.constant 0 : i32
    %scan3A_3 = arith.constant 0 : i32
    %scan3A_4 = arith.constant 32 : i32
    %scan3A_5 = arith.addi %scan3A_3, %scan3A_4 : i32
    %scan3A_6 = arith.constant 1 : i32
    %scan3A_7 = scf.for %scan3A_34 = %scan3A_3 to %scan3A_5 step %scan3A_6 iter_args(%scan3A_35 = %scan3A) -> (i32)  : i32 {
      %mul3A_36 = arith.constant 16 : i32
      %mul3A_37 = arith.muli %scan3A_34, %mul3A_36 : i32
      %get3A = arith.index_cast %mul3A_37 : i32 to index
      %get3A_38 = tpu.vector_load %arg11[%get3A] {strides = array<i32>} : memref<512xi32, #tpu.memory_space<vmem>>, vector<16xi32>,
      %slice3A = vector.extract_strided_slice %get3A_38 {offsets = [0], sizes = [1], strides = [1]} : vector<16xi32> to vector<1xi32>
      %squeeze3A = vector.extract %slice3A[0] : i32 from vector<1xi32>
      %shift_right_arithmetic3A = arith.constant 3 : i32
      %shift_right_arithmetic3A_39 = arith.shrsi %squeeze3A, %shift_right_arithmetic3A : i32
      %and3A = arith.constant 7 : i32
      %and3A_40 = arith.andi %squeeze3A, %and3A : i32
      %mul3A_41 = arith.constant 16 : i32
      %mul3A_42 = arith.muli %scan3A_34, %mul3A_41 : i32
      %add3A_43 = arith.constant 0 : i32
      %add3A_44 = arith.addi %mul3A_42, %add3A_43 : i32
      %dma_start3A = arith.constant 0 : i32
      %dma_start3A_45 = tpu.memref_slice %arg12[%add3A_44, %dma_start3A] : memref<512x64xf32, #tpu.memory_space<vmem>> -> memref<1x64xf32, #tpu.memory_space<vmem>>
      %dma_start3A_46 = tpu.memref_squeeze %dma_start3A_45 : memref<1x64xf32, #tpu.memory_space<vmem>> -> memref<64xf32, #tpu.memory_space<vmem>>
      %dma_start3A_47 = arith.constant 0 : i32
      %dma_start3A_48 = tpu.memref_slice %arg2[%shift_right_arithmetic3A_39, %and3A_40, %dma_start3A_47] : memref<125000x8x64xf32, #tpu.memory_space<hbm>> -> memref<1x1x64xf32, #tpu.memory_space<hbm>>
      %dma_start3A_49 = tpu.memref_squeeze %dma_start3A_48 : memref<1x1x64xf32, #tpu.memory_space<hbm>> -> memref<64xf32, #tpu.memory_space<hbm>>
      %dma_start3A_50 = arith.constant 0 : i32
      %dma_start3A_51 = tpu.memref_slice %arg12[%add3A_44, %dma_start3A_50] : memref<512x64xf32, #tpu.memory_space<vmem>> -> memref<1x64xf32, #tpu.memory_space<vmem>>
      %dma_start3A_52 = tpu.memref_squeeze %dma_start3A_51 : memref<1x64xf32, #tpu.memory_space<vmem>> -> memref<64xf32, #tpu.memory_space<vmem>>
      %dma_start3A_53 = arith.constant 0 : i32
      %dma_start3A_54 = tpu.memref_slice %arg2[%shift_right_arithmetic3A_39, %and3A_40, %dma_start3A_53] : memref<125000x8x64xf32, #tpu.memory_space<hbm>> -> memref<1x1x64xf32, #tpu.memory_space<hbm>>
      %dma_start3A_55 = tpu.memref_squeeze %dma_start3A_54 : memref<1x1x64xf32, #tpu.memory_space<hbm>> -> memref<64xf32, #tpu.memory_space<hbm>>
      tpu.enqueue_dma source(%dma_start3A_55 : memref<64xf32, #tpu.memory_space<hbm>>) target(%dma_start3A_52 : memref<64xf32, #tpu.memory_space<vmem>>) target_semaphore(%arg13 : memref<!tpu.dma_semaphore, #tpu.memory_space<semaphore_mem>>)
      %slice3A_56 = vector.extract_strided_slice %get3A_38 {offsets = [1], sizes = [1], strides = [1]} : vector<16xi32> to vector<1xi32>
      %squeeze3A_57 = vector.extract %slice3A_56[0] : i32 from vector<1xi32>
      %shift_right_arithmetic3A_58 = arith.constant 3 : i32
      %shift_right_arithmetic3A_59 = arith.shrsi %squeeze3A_57, %shift_right_arithmetic3A_58 : i32
      %and3A_60 = arith.constant 7 : i32
      %and3A_61 = arith.andi %squeeze3A_57, %and3A_60 : i32
      %mul3A_62 = arith.constant 16 : i32
      %mul3A_63 = arith.muli %scan3A_34, %mul3A_62 : i32
      %add3A_64 = arith.constant 1 : i32
      %add3A_65 = arith.addi %mul3A_63, %add3A_64 : i32
      %dma_start3A_66 = arith.constant 0 : i32
      %dma_start3A_67 = tpu.memref_slice %arg12[%add3A_65, %dma_start3A_66] : memref<512x64xf32, #tpu.memory_space<vmem>> -> memref<1x64xf32, #tpu.memory_space<vmem>>
      %dma_start3A_68 = tpu.memref_squeeze %dma_start3A_67 : memref<1x64xf32, #tpu.memory_space<vmem>> -> memref<64xf32, #tpu.memory_space<vmem>>
      %dma_start3A_69 = arith.constant 0 : i32
      %dma_start3A_70 = tpu.memref_slice %arg2[%shift_right_arithmetic3A_59, %and3A_61, %dma_start3A_69] : memref<125000x8x64xf32, #tpu.memory_space<hbm>> -> memref<1x1x64xf32, #tpu.memory_space<hbm>>
      %dma_start3A_71 = tpu.memref_squeeze %dma_start3A_70 : memref<1x1x64xf32, #tpu.memory_space<hbm>> -> memref<64xf32, #tpu.memory_space<hbm>>
      %dma_start3A_72 = arith.constant 0 : i32
      %dma_start3A_73 = tpu.memref_slice %arg12[%add3A_65, %dma_start3A_72] : memref<512x64xf32, #tpu.memory_space<vmem>> -> memref<1x64xf32, #tpu.memory_space<vmem>>
      %dma_start3A_74 = tpu.memref_squeeze %dma_start3A_73 : memref<1x64xf32, #tpu.memory_space<vmem>> -> memref<64xf32, #tpu.memory_space<vmem>>
      %dma_start3A_75 = arith.constant 0 : i32
      %dma_start3A_76 = tpu.memref_slice %arg2[%shift_right_arithmetic3A_59, %and3A_61, %dma_start3A_75] : memref<125000x8x64xf32, #tpu.memory_space<hbm>> -> memref<1x1x64xf32, #tpu.memory_space<hbm>>
      %dma_start3A_77 = tpu.memref_squeeze %dma_start3A_76 : memref<1x1x64xf32, #tpu.memory_space<hbm>> -> memref<64xf32, #tpu.memory_space<hbm>>
      tpu.enqueue_dma source(%dma_start3A_77 : memref<64xf32, #tpu.memory_space<hbm>>) target(%dma_start3A_74 : memref<64xf32, #tpu.memory_space<vmem>>) target_semaphore(%arg13 : memref<!tpu.dma_semaphore, #tpu.memory_space<semaphore_mem>>)
      %slice3A_78 = vector.extract_strided_slice %get3A_38 {offsets = [2], sizes = [1], strides = [1]} : vector<16xi32> to vector<1xi32>
      %squeeze3A_79 = vector.extract %slice3A_78[0] : i32 from vector<1xi32>
      %shift_right_arithmetic3A_80 = arith.constant 3 : i32
      %shift_right_arithmetic3A_81 = arith.shrsi %squeeze3A_79, %shift_right_arithmetic3A_80 : i32
      %and3A_82 = arith.constant 7 : i32
      %and3A_83 = arith.andi %squeeze3A_79, %and3A_82 : i32
      %mul3A_84 = arith.constant 16 : i32
      %mul3A_85 = arith.muli %scan3A_34, %mul3A_84 : i32
      %add3A_86 = arith.constant 2 : i32
      %add3A_87 = arith.addi %mul3A_85, %add3A_86 : i32
      %dma_start3A_88 = arith.constant 0 : i32
      %dma_start3A_89 = tpu.memref_slice %arg12[%add3A_87, %dma_start3A_88] : memref<512x64xf32, #tpu.memory_space<vmem>> -> memref<1x64xf32, #tpu.memory_space<vmem>>
      %dma_start3A_90 = tpu.memref_squeeze %dma_start3A_89 : memref<1x64xf32, #tpu.memory_space<vmem>> -> memref<64xf32, #tpu.memory_space<vmem>>
      %dma_start3A_91 = arith.constant 0 : i32
      %dma_start3A_92 = tpu.memref_slice %arg2[%shift_right_arithmetic3A_81, %and3A_83, %dma_start3A_91] : memref<125000x8x64xf32, #tpu.memory_space<hbm>> -> memref<1x1x64xf32, #tpu.memory_space<hbm>>
      %dma_start3A_93 = tpu.memref_squeeze %dma_start3A_92 : memref<1x1x64xf32, #tpu.memory_space<hbm>> -> memref<64xf32, #tpu.memory_space<hbm>>
      %dma_start3A_94 = arith.constant 0 : i32
      %dma_start3A_95 = tpu.memref_slice %arg12[%add3A_87, %dma_start3A_94] : memref<512x64xf32, #tpu.memory_space<vmem>> -> memref<1x64xf32, #tpu.memory_space<vmem>>
      %dma_start3A_96 = tpu.memref_squeeze %dma_start3A_95 : memref<1x64xf32, #tpu.memory_space<vmem>> -> memref<64xf32, #tpu.memory_space<vmem>>
      %dma_start3A_97 = arith.constant 0 : i32
      %dma_start3A_98 = tpu.memref_slice %arg2[%shift_right_arithmetic3A_81, %and3A_83, %dma_start3A_97] : memref<125000x8x64xf32, #tpu.memory_space<hbm>> -> memref<1x1x64xf32, #tpu.memory_space<hbm>>
      %dma_start3A_99 = tpu.memref_squeeze %dma_start3A_98 : memref<1x1x64xf32, #tpu.memory_space<hbm>> -> memref<64xf32, #tpu.memory_space<hbm>>
      tpu.enqueue_dma source(%dma_start3A_99 : memref<64xf32, #tpu.memory_space<hbm>>) target(%dma_start3A_96 : memref<64xf32, #tpu.memory_space<vmem>>) target_semaphore(%arg13 : memref<!tpu.dma_semaphore, #tpu.memory_space<semaphore_mem>>)
      %slice3A_100 = vector.extract_strided_slice %get3A_38 {offsets = [3], sizes = [1], strides = [1]} : vector<16xi32> to vector<1xi32>
      %squeeze3A_101 = vector.extract %slice3A_100[0] : i32 from vector<1xi32>
      %shift_right_arithmetic3A_102 = arith.constant 3 : i32
      %shift_right_arithmetic3A_103 = arith.shrsi %squeeze3A_101, %shift_right_arithmetic3A_102 : i32
      %and3A_104 = arith.constant 7 : i32
      %and3A_105 = arith.andi %squeeze3A_101, %and3A_104 : i32
      %mul3A_106 = arith.constant 16 : i32
      %mul3A_107 = arith.muli %scan3A_34, %mul3A_106 : i32
      %add3A_108 = arith.constant 3 : i32
      %add3A_109 = arith.addi %mul3A_107, %add3A_108 : i32
      %dma_start3A_110 = arith.constant 0 : i32
      %dma_start3A_111 = tpu.memref_slice %arg12[%add3A_109, %dma_start3A_110] : memref<512x64xf32, #tpu.memory_space<vmem>> -> memref<1x64xf32, #tpu.memory_space<vmem>>
      %dma_start3A_112 = tpu.memref_squeeze %dma_start3A_111 : memref<1x64xf32, #tpu.memory_space<vmem>> -> memref<64xf32, #tpu.memory_space<vmem>>
      %dma_start3A_113 = arith.constant 0 : i32
      %dma_start3A_114 = tpu.memref_slice %arg2[%shift_right_arithmetic3A_103, %and3A_105, %dma_start3A_113] : memref<125000x8x64xf32, #tpu.memory_space<hbm>> -> memref<1x1x64xf32, #tpu.memory_space<hbm>>
      %dma_start3A_115 = tpu.memref_squeeze %dma_start3A_114 : memref<1x1x64xf32, #tpu.memory_space<hbm>> -> memref<64xf32, #tpu.memory_space<hbm>>
      %dma_start3A_116 = arith.constant 0 : i32
      %dma_start3A_117 = tpu.memref_slice %arg12[%add3A_109, %dma_start3A_116] : memref<512x64xf32, #tpu.memory_space<vmem>> -> memref<1x64xf32, #tpu.memory_space<vmem>>
      %dma_start3A_118 = tpu.memref_squeeze %dma_start3A_117 : memref<1x64xf32, #tpu.memory_space<vmem>> -> memref<64xf32, #tpu.memory_space<vmem>>
      %dma_start3A_119 = arith.constant 0 : i32
      %dma_start3A_120 = tpu.memref_slice %arg2[%shift_right_arithmetic3A_103, %and3A_105, %dma_start3A_119] : memref<125000x8x64xf32, #tpu.memory_space<hbm>> -> memref<1x1x64xf32, #tpu.memory_space<hbm>>
      %dma_start3A_121 = tpu.memref_squeeze %dma_start3A_120 : memref<1x1x64xf32, #tpu.memory_space<hbm>> -> memref<64xf32, #tpu.memory_space<hbm>>
      tpu.enqueue_dma source(%dma_start3A_121 : memref<64xf32, #tpu.memory_space<hbm>>) target(%dma_start3A_118 : memref<64xf32, #tpu.memory_space<vmem>>) target_semaphore(%arg13 : memref<!tpu.dma_semaphore, #tpu.memory_space<semaphore_mem>>)
      %slice3A_122 = vector.extract_strided_slice %get3A_38 {offsets = [4], sizes = [1], strides = [1]} : vector<16xi32> to vector<1xi32>
      %squeeze3A_123 = vector.extract %slice3A_122[0] : i32 from vector<1xi32>
      %shift_right_arithmetic3A_124 = arith.constant 3 : i32
      %shift_right_arithmetic3A_125 = arith.shrsi %squeeze3A_123, %shift_right_arithmetic3A_124 : i32
      %and3A_126 = arith.constant 7 : i32
      %and3A_127 = arith.andi %squeeze3A_123, %and3A_126 : i32
      %mul3A_128 = arith.constant 16 : i32
      %mul3A_129 = arith.muli %scan3A_34, %mul3A_128 : i32
      %add3A_130 = arith.constant 4 : i32
      %add3A_131 = arith.addi %mul3A_129, %add3A_130 : i32
      %dma_start3A_132 = arith.constant 0 : i32
      %dma_start3A_133 = tpu.memref_slice %arg12[%add3A_131, %dma_start3A_132] : memref<512x64xf32, #tpu.memory_space<vmem>> -> memref<1x64xf32, #tpu.memory_space<vmem>>
      %dma_start3A_134 = tpu.memref_squeeze %dma_start3A_133 : memref<1x64xf32, #tpu.memory_space<vmem>> -> memref<64xf32, #tpu.memory_space<vmem>>
      %dma_start3A_135 = arith.constant 0 : i32
      %dma_start3A_136 = tpu.memref_slice %arg2[%shift_right_arithmetic3A_125, %and3A_127, %dma_start3A_135] : memref<125000x8x64xf32, #tpu.memory_space<hbm>> -> memref<1x1x64xf32, #tpu.memory_space<hbm>>
      %dma_start3A_137 = tpu.memref_squeeze %dma_start3A_136 : memref<1x1x64xf32, #tpu.memory_space<hbm>> -> memref<64xf32, #tpu.memory_space<hbm>>
      %dma_start3A_138 = arith.constant 0 : i32
      %dma_start3A_139 = tpu.memref_slice %arg12[%add3A_131, %dma_start3A_138] : memref<512x64xf32, #tpu.memory_space<vmem>> -> memref<1x64xf32, #tpu.memory_space<vmem>>
      %dma_start3A_140 = tpu.memref_squeeze %dma_start3A_139 : memref<1x64xf32, #tpu.memory_space<vmem>> -> memref<64xf32, #tpu.memory_space<vmem>>
      %dma_start3A_141 = arith.constant 0 : i32
      %dma_start3A_142 = tpu.memref_slice %arg2[%shift_right_arithmetic3A_125, %and3A_127, %dma_start3A_141] : memref<125000x8x64xf32, #tpu.memory_space<hbm>> -> memref<1x1x64xf32, #tpu.memory_space<hbm>>
      %dma_start3A_143 = tpu.memref_squeeze %dma_start3A_142 : memref<1x1x64xf32, #tpu.memory_space<hbm>> -> memref<64xf32, #tpu.memory_space<hbm>>
      tpu.enqueue_dma source(%dma_start3A_143 : memref<64xf32, #tpu.memory_space<hbm>>) target(%dma_start3A_140 : memref<64xf32, #tpu.memory_space<vmem>>) target_semaphore(%arg13 : memref<!tpu.dma_semaphore, #tpu.memory_space<semaphore_mem>>)
      %slice3A_144 = vector.extract_strided_slice %get3A_38 {offsets = [5], sizes = [1], strides = [1]} : vector<16xi32> to vector<1xi32>
      %squeeze3A_145 = vector.extract %slice3A_144[0] : i32 from vector<1xi32>
      %shift_right_arithmetic3A_146 = arith.constant 3 : i32
      %shift_right_arithmetic3A_147 = arith.shrsi %squeeze3A_145, %shift_right_arithmetic3A_146 : i32
      %and3A_148 = arith.constant 7 : i32
      %and3A_149 = arith.andi %squeeze3A_145, %and3A_148 : i32
      %mul3A_150 = arith.constant 16 : i32
      %mul3A_151 = arith.muli %scan3A_34, %mul3A_150 : i32
      %add3A_152 = arith.constant 5 : i32
      %add3A_153 = arith.addi %mul3A_151, %add3A_152 : i32
      %dma_start3A_154 = arith.constant 0 : i32
      %dma_start3A_155 = tpu.memref_slice %arg12[%add3A_153, %dma_start3A_154] : memref<512x64xf32, #tpu.memory_space<vmem>> -> memref<1x64xf32, #tpu.memory_space<vmem>>
      %dma_start3A_156 = tpu.memref_squeeze %dma_start3A_155 : memref<1x64xf32, #tpu.memory_space<vmem>> -> memref<64xf32, #tpu.memory_space<vmem>>
      %dma_start3A_157 = arith.constant 0 : i32
      %dma_start3A_158 = tpu.memref_slice %arg2[%shift_right_arithmetic3A_147, %and3A_149, %dma_start3A_157] : memref<125000x8x64xf32, #tpu.memory_space<hbm>> -> memref<1x1x64xf32, #tpu.memory_space<hbm>>
      %dma_start3A_159 = tpu.memref_squeeze %dma_start3A_158 : memref<1x1x64xf32, #tpu.memory_space<hbm>> -> memref<64xf32, #tpu.memory_space<hbm>>
      %dma_start3A_160 = arith.constant 0 : i32
      %dma_start3A_161 = tpu.memref_slice %arg12[%add3A_153, %dma_start3A_160] : memref<512x64xf32, #tpu.memory_space<vmem>> -> memref<1x64xf32, #tpu.memory_space<vmem>>
      %dma_start3A_162 = tpu.memref_squeeze %dma_start3A_161 : memref<1x64xf32, #tpu.memory_space<vmem>> -> memref<64xf32, #tpu.memory_space<vmem>>
      %dma_start3A_163 = arith.constant 0 : i32
      %dma_start3A_164 = tpu.memref_slice %arg2[%shift_right_arithmetic3A_147, %and3A_149, %dma_start3A_163] : memref<125000x8x64xf32, #tpu.memory_space<hbm>> -> memref<1x1x64xf32, #tpu.memory_space<hbm>>
      %dma_start3A_165 = tpu.memref_squeeze %dma_start3A_164 : memref<1x1x64xf32, #tpu.memory_space<hbm>> -> memref<64xf32, #tpu.memory_space<hbm>>
      tpu.enqueue_dma source(%dma_start3A_165 : memref<64xf32, #tpu.memory_space<hbm>>) target(%dma_start3A_162 : memref<64xf32, #tpu.memory_space<vmem>>) target_semaphore(%arg13 : memref<!tpu.dma_semaphore, #tpu.memory_space<semaphore_mem>>)
      %slice3A_166 = vector.extract_strided_slice %get3A_38 {offsets = [6], sizes = [1], strides = [1]} : vector<16xi32> to vector<1xi32>
      %squeeze3A_167 = vector.extract %slice3A_166[0] : i32 from vector<1xi32>
      %shift_right_arithmetic3A_168 = arith.constant 3 : i32
      %shift_right_arithmetic3A_169 = arith.shrsi %squeeze3A_167, %shift_right_arithmetic3A_168 : i32
      %and3A_170 = arith.constant 7 : i32
      %and3A_171 = arith.andi %squeeze3A_167, %and3A_170 : i32
      %mul3A_172 = arith.constant 16 : i32
      %mul3A_173 = arith.muli %scan3A_34, %mul3A_172 : i32
      %add3A_174 = arith.constant 6 : i32
      %add3A_175 = arith.addi %mul3A_173, %add3A_174 : i32
      %dma_start3A_176 = arith.constant 0 : i32
      %dma_start3A_177 = tpu.memref_slice %arg12[%add3A_175, %dma_start3A_176] : memref<512x64xf32, #tpu.memory_space<vmem>> -> memref<1x64xf32, #tpu.memory_space<vmem>>
      %dma_start3A_178 = tpu.memref_squeeze %dma_start3A_177 : memref<1x64xf32, #tpu.memory_space<vmem>> -> memref<64xf32, #tpu.memory_space<vmem>>
      %dma_start3A_179 = arith.constant 0 : i32
      %dma_start3A_180 = tpu.memref_slice %arg2[%shift_right_arithmetic3A_169, %and3A_171, %dma_start3A_179] : memref<125000x8x64xf32, #tpu.memory_space<hbm>> -> memref<1x1x64xf32, #tpu.memory_space<hbm>>
      %dma_start3A_181 = tpu.memref_squeeze %dma_start3A_180 : memref<1x1x64xf32, #tpu.memory_space<hbm>> -> memref<64xf32, #tpu.memory_space<hbm>>
      %dma_start3A_182 = arith.constant 0 : i32
      %dma_start3A_183 = tpu.memref_slice %arg12[%add3A_175, %dma_start3A_182] : memref<512x64xf32, #tpu.memory_space<vmem>> -> memref<1x64xf32, #tpu.memory_space<vmem>>
      %dma_start3A_184 = tpu.memref_squeeze %dma_start3A_183 : memref<1x64xf32, #tpu.memory_space<vmem>> -> memref<64xf32, #tpu.memory_space<vmem>>
      %dma_start3A_185 = arith.constant 0 : i32
      %dma_start3A_186 = tpu.memref_slice %arg2[%shift_right_arithmetic3A_169, %and3A_171, %dma_start3A_185] : memref<125000x8x64xf32, #tpu.memory_space<hbm>> -> memref<1x1x64xf32, #tpu.memory_space<hbm>>
      %dma_start3A_187 = tpu.memref_squeeze %dma_start3A_186 : memref<1x1x64xf32, #tpu.memory_space<hbm>> -> memref<64xf32, #tpu.memory_space<hbm>>
      tpu.enqueue_dma source(%dma_start3A_187 : memref<64xf32, #tpu.memory_space<hbm>>) target(%dma_start3A_184 : memref<64xf32, #tpu.memory_space<vmem>>) target_semaphore(%arg13 : memref<!tpu.dma_semaphore, #tpu.memory_space<semaphore_mem>>)
      %slice3A_188 = vector.extract_strided_slice %get3A_38 {offsets = [7], sizes = [1], strides = [1]} : vector<16xi32> to vector<1xi32>
      %squeeze3A_189 = vector.extract %slice3A_188[0] : i32 from vector<1xi32>
      %shift_right_arithmetic3A_190 = arith.constant 3 : i32
      %shift_right_arithmetic3A_191 = arith.shrsi %squeeze3A_189, %shift_right_arithmetic3A_190 : i32
      %and3A_192 = arith.constant 7 : i32
      %and3A_193 = arith.andi %squeeze3A_189, %and3A_192 : i32
      %mul3A_194 = arith.constant 16 : i32
      %mul3A_195 = arith.muli %scan3A_34, %mul3A_194 : i32
      %add3A_196 = arith.constant 7 : i32
      %add3A_197 = arith.addi %mul3A_195, %add3A_196 : i32
      %dma_start3A_198 = arith.constant 0 : i32
      %dma_start3A_199 = tpu.memref_slice %arg12[%add3A_197, %dma_start3A_198] : memref<512x64xf32, #tpu.memory_space<vmem>> -> memref<1x64xf32, #tpu.memory_space<vmem>>
      %dma_start3A_200 = tpu.memref_squeeze %dma_start3A_199 : memref<1x64xf32, #tpu.memory_space<vmem>> -> memref<64xf32, #tpu.memory_space<vmem>>
      %dma_start3A_201 = arith.constant 0 : i32
      %dma_start3A_202 = tpu.memref_slice %arg2[%shift_right_arithmetic3A_191, %and3A_193, %dma_start3A_201] : memref<125000x8x64xf32, #tpu.memory_space<hbm>> -> memref<1x1x64xf32, #tpu.memory_space<hbm>>
      %dma_start3A_203 = tpu.memref_squeeze %dma_start3A_202 : memref<1x1x64xf32, #tpu.memory_space<hbm>> -> memref<64xf32, #tpu.memory_space<hbm>>
      %dma_start3A_204 = arith.constant 0 : i32
      %dma_start3A_205 = tpu.memref_slice %arg12[%add3A_197, %dma_start3A_204] : memref<512x64xf32, #tpu.memory_space<vmem>> -> memref<1x64xf32, #tpu.memory_space<vmem>>
      %dma_start3A_206 = tpu.memref_squeeze %dma_start3A_205 : memref<1x64xf32, #tpu.memory_space<vmem>> -> memref<64xf32, #tpu.memory_space<vmem>>
      %dma_start3A_207 = arith.constant 0 : i32
      %dma_start3A_208 = tpu.memref_slice %arg2[%shift_right_arithmetic3A_191, %and3A_193, %dma_start3A_207] : memref<125000x8x64xf32, #tpu.memory_space<hbm>> -> memref<1x1x64xf32, #tpu.memory_space<hbm>>
      %dma_start3A_209 = tpu.memref_squeeze %dma_start3A_208 : memref<1x1x64xf32, #tpu.memory_space<hbm>> -> memref<64xf32, #tpu.memory_space<hbm>>
      tpu.enqueue_dma source(%dma_start3A_209 : memref<64xf32, #tpu.memory_space<hbm>>) target(%dma_start3A_206 : memref<64xf32, #tpu.memory_space<vmem>>) target_semaphore(%arg13 : memref<!tpu.dma_semaphore, #tpu.memory_space<semaphore_mem>>)
      %slice3A_210 = vector.extract_strided_slice %get3A_38 {offsets = [8], sizes = [1], strides = [1]} : vector<16xi32> to vector<1xi32>
      %squeeze3A_211 = vector.extract %slice3A_210[0] : i32 from vector<1xi32>
      %shift_right_arithmetic3A_212 = arith.constant 3 : i32
      %shift_right_arithmetic3A_213 = arith.shrsi %squeeze3A_211, %shift_right_arithmetic3A_212 : i32
      %and3A_214 = arith.constant 7 : i32
      %and3A_215 = arith.andi %squeeze3A_211, %and3A_214 : i32
      %mul3A_216 = arith.constant 16 : i32
      %mul3A_217 = arith.muli %scan3A_34, %mul3A_216 : i32
      %add3A_218 = arith.constant 8 : i32
      %add3A_219 = arith.addi %mul3A_217, %add3A_218 : i32
      %dma_start3A_220 = arith.constant 0 : i32
      %dma_start3A_221 = tpu.memref_slice %arg12[%add3A_219, %dma_start3A_220] : memref<512x64xf32, #tpu.memory_space<vmem>> -> memref<1x64xf32, #tpu.memory_space<vmem>>
      %dma_start3A_222 = tpu.memref_squeeze %dma_start3A_221 : memref<1x64xf32, #tpu.memory_space<vmem>> -> memref<64xf32, #tpu.memory_space<vmem>>
      %dma_start3A_223 = arith.constant 0 : i32
      %dma_start3A_224 = tpu.memref_slice %arg2[%shift_right_arithmetic3A_213, %and3A_215, %dma_start3A_223] : memref<125000x8x64xf32, #tpu.memory_space<hbm>> -> memref<1x1x64xf32, #tpu.memory_space<hbm>>
      %dma_start3A_225 = tpu.memref_squeeze %dma_start3A_224 : memref<1x1x64xf32, #tpu.memory_space<hbm>> -> memref<64xf32, #tpu.memory_space<hbm>>
      %dma_start3A_226 = arith.constant 0 : i32
      %dma_start3A_227 = tpu.memref_slice %arg12[%add3A_219, %dma_start3A_226] : memref<512x64xf32, #tpu.memory_space<vmem>> -> memref<1x64xf32, #tpu.memory_space<vmem>>
      %dma_start3A_228 = tpu.memref_squeeze %dma_start3A_227 : memref<1x64xf32, #tpu.memory_space<vmem>> -> memref<64xf32, #tpu.memory_space<vmem>>
      %dma_start3A_229 = arith.constant 0 : i32
      %dma_start3A_230 = tpu.memref_slice %arg2[%shift_right_arithmetic3A_213, %and3A_215, %dma_start3A_229] : memref<125000x8x64xf32, #tpu.memory_space<hbm>> -> memref<1x1x64xf32, #tpu.memory_space<hbm>>
      %dma_start3A_231 = tpu.memref_squeeze %dma_start3A_230 : memref<1x1x64xf32, #tpu.memory_space<hbm>> -> memref<64xf32, #tpu.memory_space<hbm>>
      tpu.enqueue_dma source(%dma_start3A_231 : memref<64xf32, #tpu.memory_space<hbm>>) target(%dma_start3A_228 : memref<64xf32, #tpu.memory_space<vmem>>) target_semaphore(%arg13 : memref<!tpu.dma_semaphore, #tpu.memory_space<semaphore_mem>>)
      %slice3A_232 = vector.extract_strided_slice %get3A_38 {offsets = [9], sizes = [1], strides = [1]} : vector<16xi32> to vector<1xi32>
      %squeeze3A_233 = vector.extract %slice3A_232[0] : i32 from vector<1xi32>
      %shift_right_arithmetic3A_234 = arith.constant 3 : i32
      %shift_right_arithmetic3A_235 = arith.shrsi %squeeze3A_233, %shift_right_arithmetic3A_234 : i32
      %and3A_236 = arith.constant 7 : i32
      %and3A_237 = arith.andi %squeeze3A_233, %and3A_236 : i32
      %mul3A_238 = arith.constant 16 : i32
      %mul3A_239 = arith.muli %scan3A_34, %mul3A_238 : i32
      %add3A_240 = arith.constant 9 : i32
      %add3A_241 = arith.addi %mul3A_239, %add3A_240 : i32
      %dma_start3A_242 = arith.constant 0 : i32
      %dma_start3A_243 = tpu.memref_slice %arg12[%add3A_241, %dma_start3A_242] : memref<512x64xf32, #tpu.memory_space<vmem>> -> memref<1x64xf32, #tpu.memory_space<vmem>>
      %dma_start3A_244 = tpu.memref_squeeze %dma_start3A_243 : memref<1x64xf32, #tpu.memory_space<vmem>> -> memref<64xf32, #tpu.memory_space<vmem>>
      %dma_start3A_245 = arith.constant 0 : i32
      %dma_start3A_246 = tpu.memref_slice %arg2[%shift_right_arithmetic3A_235, %and3A_237, %dma_start3A_245] : memref<125000x8x64xf32, #tpu.memory_space<hbm>> -> memref<1x1x64xf32, #tpu.memory_space<hbm>>
      %dma_start3A_247 = tpu.memref_squeeze %dma_start3A_246 : memref<1x1x64xf32, #tpu.memory_space<hbm>> -> memref<64xf32, #tpu.memory_space<hbm>>
      %dma_start3A_248 = arith.constant 0 : i32
      %dma_start3A_249 = tpu.memref_slice %arg12[%add3A_241, %dma_start3A_248] : memref<512x64xf32, #tpu.memory_space<vmem>> -> memref<1x64xf32, #tpu.memory_space<vmem>>
      %dma_start3A_250 = tpu.memref_squeeze %dma_start3A_249 : memref<1x64xf32, #tpu.memory_space<vmem>> -> memref<64xf32, #tpu.memory_space<vmem>>
      %dma_start3A_251 = arith.constant 0 : i32
      %dma_start3A_252 = tpu.memref_slice %arg2[%shift_right_arithmetic3A_235, %and3A_237, %dma_start3A_251] : memref<125000x8x64xf32, #tpu.memory_space<hbm>> -> memref<1x1x64xf32, #tpu.memory_space<hbm>>
      %dma_start3A_253 = tpu.memref_squeeze %dma_start3A_252 : memref<1x1x64xf32, #tpu.memory_space<hbm>> -> memref<64xf32, #tpu.memory_space<hbm>>
      tpu.enqueue_dma source(%dma_start3A_253 : memref<64xf32, #tpu.memory_space<hbm>>) target(%dma_start3A_250 : memref<64xf32, #tpu.memory_space<vmem>>) target_semaphore(%arg13 : memref<!tpu.dma_semaphore, #tpu.memory_space<semaphore_mem>>)
      %slice3A_254 = vector.extract_strided_slice %get3A_38 {offsets = [10], sizes = [1], strides = [1]} : vector<16xi32> to vector<1xi32>
      %squeeze3A_255 = vector.extract %slice3A_254[0] : i32 from vector<1xi32>
      %shift_right_arithmetic3A_256 = arith.constant 3 : i32
      %shift_right_arithmetic3A_257 = arith.shrsi %squeeze3A_255, %shift_right_arithmetic3A_256 : i32
      %and3A_258 = arith.constant 7 : i32
      %and3A_259 = arith.andi %squeeze3A_255, %and3A_258 : i32
      %mul3A_260 = arith.constant 16 : i32
      %mul3A_261 = arith.muli %scan3A_34, %mul3A_260 : i32
      %add3A_262 = arith.constant 10 : i32
      %add3A_263 = arith.addi %mul3A_261, %add3A_262 : i32
      %dma_start3A_264 = arith.constant 0 : i32
      %dma_start3A_265 = tpu.memref_slice %arg12[%add3A_263, %dma_start3A_264] : memref<512x64xf32, #tpu.memory_space<vmem>> -> memref<1x64xf32, #tpu.memory_space<vmem>>
      %dma_start3A_266 = tpu.memref_squeeze %dma_start3A_265 : memref<1x64xf32, #tpu.memory_space<vmem>> -> memref<64xf32, #tpu.memory_space<vmem>>
      %dma_start3A_267 = arith.constant 0 : i32
      %dma_start3A_268 = tpu.memref_slice %arg2[%shift_right_arithmetic3A_257, %and3A_259, %dma_start3A_267] : memref<125000x8x64xf32, #tpu.memory_space<hbm>> -> memref<1x1x64xf32, #tpu.memory_space<hbm>>
      %dma_start3A_269 = tpu.memref_squeeze %dma_start3A_268 : memref<1x1x64xf32, #tpu.memory_space<hbm>> -> memref<64xf32, #tpu.memory_space<hbm>>
      %dma_start3A_270 = arith.constant 0 : i32
      %dma_start3A_271 = tpu.memref_slice %arg12[%add3A_263, %dma_start3A_270] : memref<512x64xf32, #tpu.memory_space<vmem>> -> memref<1x64xf32, #tpu.memory_space<vmem>>
      %dma_start3A_272 = tpu.memref_squeeze %dma_start3A_271 : memref<1x64xf32, #tpu.memory_space<vmem>> -> memref<64xf32, #tpu.memory_space<vmem>>
      %dma_start3A_273 = arith.constant 0 : i32
      %dma_start3A_274 = tpu.memref_slice %arg2[%shift_right_arithmetic3A_257, %and3A_259, %dma_start3A_273] : memref<125000x8x64xf32, #tpu.memory_space<hbm>> -> memref<1x1x64xf32, #tpu.memory_space<hbm>>
      %dma_start3A_275 = tpu.memref_squeeze %dma_start3A_274 : memref<1x1x64xf32, #tpu.memory_space<hbm>> -> memref<64xf32, #tpu.memory_space<hbm>>
      tpu.enqueue_dma source(%dma_start3A_275 : memref<64xf32, #tpu.memory_space<hbm>>) target(%dma_start3A_272 : memref<64xf32, #tpu.memory_space<vmem>>) target_semaphore(%arg13 : memref<!tpu.dma_semaphore, #tpu.memory_space<semaphore_mem>>)
      %slice3A_276 = vector.extract_strided_slice %get3A_38 {offsets = [11], sizes = [1], strides = [1]} : vector<16xi32> to vector<1xi32>
      %squeeze3A_277 = vector.extract %slice3A_276[0] : i32 from vector<1xi32>
      %shift_right_arithmetic3A_278 = arith.constant 3 : i32
      %shift_right_arithmetic3A_279 = arith.shrsi %squeeze3A_277, %shift_right_arithmetic3A_278 : i32
      %and3A_280 = arith.constant 7 : i32
      %and3A_281 = arith.andi %squeeze3A_277, %and3A_280 : i32
      %mul3A_282 = arith.constant 16 : i32
      %mul3A_283 = arith.muli %scan3A_34, %mul3A_282 : i32
      %add3A_284 = arith.constant 11 : i32
      %add3A_285 = arith.addi %mul3A_283, %add3A_284 : i32
      %dma_start3A_286 = arith.constant 0 : i32
      %dma_start3A_287 = tpu.memref_slice %arg12[%add3A_285, %dma_start3A_286] : memref<512x64xf32, #tpu.memory_space<vmem>> -> memref<1x64xf32, #tpu.memory_space<vmem>>
      %dma_start3A_288 = tpu.memref_squeeze %dma_start3A_287 : memref<1x64xf32, #tpu.memory_space<vmem>> -> memref<64xf32, #tpu.memory_space<vmem>>
      %dma_start3A_289 = arith.constant 0 : i32
      %dma_start3A_290 = tpu.memref_slice %arg2[%shift_right_arithmetic3A_279, %and3A_281, %dma_start3A_289] : memref<125000x8x64xf32, #tpu.memory_space<hbm>> -> memref<1x1x64xf32, #tpu.memory_space<hbm>>
      %dma_start3A_291 = tpu.memref_squeeze %dma_start3A_290 : memref<1x1x64xf32, #tpu.memory_space<hbm>> -> memref<64xf32, #tpu.memory_space<hbm>>
      %dma_start3A_292 = arith.constant 0 : i32
      %dma_start3A_293 = tpu.memref_slice %arg12[%add3A_285, %dma_start3A_292] : memref<512x64xf32, #tpu.memory_space<vmem>> -> memref<1x64xf32, #tpu.memory_space<vmem>>
      %dma_start3A_294 = tpu.memref_squeeze %dma_start3A_293 : memref<1x64xf32, #tpu.memory_space<vmem>> -> memref<64xf32, #tpu.memory_space<vmem>>
      %dma_start3A_295 = arith.constant 0 : i32
      %dma_start3A_296 = tpu.memref_slice %arg2[%shift_right_arithmetic3A_279, %and3A_281, %dma_start3A_295] : memref<125000x8x64xf32, #tpu.memory_space<hbm>> -> memref<1x1x64xf32, #tpu.memory_space<hbm>>
      %dma_start3A_297 = tpu.memref_squeeze %dma_start3A_296 : memref<1x1x64xf32, #tpu.memory_space<hbm>> -> memref<64xf32, #tpu.memory_space<hbm>>
      tpu.enqueue_dma source(%dma_start3A_297 : memref<64xf32, #tpu.memory_space<hbm>>) target(%dma_start3A_294 : memref<64xf32, #tpu.memory_space<vmem>>) target_semaphore(%arg13 : memref<!tpu.dma_semaphore, #tpu.memory_space<semaphore_mem>>)
      %slice3A_298 = vector.extract_strided_slice %get3A_38 {offsets = [12], sizes = [1], strides = [1]} : vector<16xi32> to vector<1xi32>
      %squeeze3A_299 = vector.extract %slice3A_298[0] : i32 from vector<1xi32>
      %shift_right_arithmetic3A_300 = arith.constant 3 : i32
      %shift_right_arithmetic3A_301 = arith.shrsi %squeeze3A_299, %shift_right_arithmetic3A_300 : i32
      %and3A_302 = arith.constant 7 : i32
      %and3A_303 = arith.andi %squeeze3A_299, %and3A_302 : i32
      %mul3A_304 = arith.constant 16 : i32
      %mul3A_305 = arith.muli %scan3A_34, %mul3A_304 : i32
      %add3A_306 = arith.constant 12 : i32
      %add3A_307 = arith.addi %mul3A_305, %add3A_306 : i32
      %dma_start3A_308 = arith.constant 0 : i32
      %dma_start3A_309 = tpu.memref_slice %arg12[%add3A_307, %dma_start3A_308] : memref<512x64xf32, #tpu.memory_space<vmem>> -> memref<1x64xf32, #tpu.memory_space<vmem>>
      %dma_start3A_310 = tpu.memref_squeeze %dma_start3A_309 : memref<1x64xf32, #tpu.memory_space<vmem>> -> memref<64xf32, #tpu.memory_space<vmem>>
      %dma_start3A_311 = arith.constant 0 : i32
      %dma_start3A_312 = tpu.memref_slice %arg2[%shift_right_arithmetic3A_301, %and3A_303, %dma_start3A_311] : memref<125000x8x64xf32, #tpu.memory_space<hbm>> -> memref<1x1x64xf32, #tpu.memory_space<hbm>>
      %dma_start3A_313 = tpu.memref_squeeze %dma_start3A_312 : memref<1x1x64xf32, #tpu.memory_space<hbm>> -> memref<64xf32, #tpu.memory_space<hbm>>
      %dma_start3A_314 = arith.constant 0 : i32
      %dma_start3A_315 = tpu.memref_slice %arg12[%add3A_307, %dma_start3A_314] : memref<512x64xf32, #tpu.memory_space<vmem>> -> memref<1x64xf32, #tpu.memory_space<vmem>>
      %dma_start3A_316 = tpu.memref_squeeze %dma_start3A_315 : memref<1x64xf32, #tpu.memory_space<vmem>> -> memref<64xf32, #tpu.memory_space<vmem>>
      %dma_start3A_317 = arith.constant 0 : i32
      %dma_start3A_318 = tpu.memref_slice %arg2[%shift_right_arithmetic3A_301, %and3A_303, %dma_start3A_317] : memref<125000x8x64xf32, #tpu.memory_space<hbm>> -> memref<1x1x64xf32, #tpu.memory_space<hbm>>
      %dma_start3A_319 = tpu.memref_squeeze %dma_start3A_318 : memref<1x1x64xf32, #tpu.memory_space<hbm>> -> memref<64xf32, #tpu.memory_space<hbm>>
      tpu.enqueue_dma source(%dma_start3A_319 : memref<64xf32, #tpu.memory_space<hbm>>) target(%dma_start3A_316 : memref<64xf32, #tpu.memory_space<vmem>>) target_semaphore(%arg13 : memref<!tpu.dma_semaphore, #tpu.memory_space<semaphore_mem>>)
      %slice3A_320 = vector.extract_strided_slice %get3A_38 {offsets = [13], sizes = [1], strides = [1]} : vector<16xi32> to vector<1xi32>
      %squeeze3A_321 = vector.extract %slice3A_320[0] : i32 from vector<1xi32>
      %shift_right_arithmetic3A_322 = arith.constant 3 : i32
      %shift_right_arithmetic3A_323 = arith.shrsi %squeeze3A_321, %shift_right_arithmetic3A_322 : i32
      %and3A_324 = arith.constant 7 : i32
      %and3A_325 = arith.andi %squeeze3A_321, %and3A_324 : i32
      %mul3A_326 = arith.constant 16 : i32
      %mul3A_327 = arith.muli %scan3A_34, %mul3A_326 : i32
      %add3A_328 = arith.constant 13 : i32
      %add3A_329 = arith.addi %mul3A_327, %add3A_328 : i32
      %dma_start3A_330 = arith.constant 0 : i32
      %dma_start3A_331 = tpu.memref_slice %arg12[%add3A_329, %dma_start3A_330] : memref<512x64xf32, #tpu.memory_space<vmem>> -> memref<1x64xf32, #tpu.memory_space<vmem>>
      %dma_start3A_332 = tpu.memref_squeeze %dma_start3A_331 : memref<1x64xf32, #tpu.memory_space<vmem>> -> memref<64xf32, #tpu.memory_space<vmem>>
      %dma_start3A_333 = arith.constant 0 : i32
      %dma_start3A_334 = tpu.memref_slice %arg2[%shift_right_arithmetic3A_323, %and3A_325, %dma_start3A_333] : memref<125000x8x64xf32, #tpu.memory_space<hbm>> -> memref<1x1x64xf32, #tpu.memory_space<hbm>>
      %dma_start3A_335 = tpu.memref_squeeze %dma_start3A_334 : memref<1x1x64xf32, #tpu.memory_space<hbm>> -> memref<64xf32, #tpu.memory_space<hbm>>
      %dma_start3A_336 = arith.constant 0 : i32
      %dma_start3A_337 = tpu.memref_slice %arg12[%add3A_329, %dma_start3A_336] : memref<512x64xf32, #tpu.memory_space<vmem>> -> memref<1x64xf32, #tpu.memory_space<vmem>>
      %dma_start3A_338 = tpu.memref_squeeze %dma_start3A_337 : memref<1x64xf32, #tpu.memory_space<vmem>> -> memref<64xf32, #tpu.memory_space<vmem>>
      %dma_start3A_339 = arith.constant 0 : i32
      %dma_start3A_340 = tpu.memref_slice %arg2[%shift_right_arithmetic3A_323, %and3A_325, %dma_start3A_339] : memref<125000x8x64xf32, #tpu.memory_space<hbm>> -> memref<1x1x64xf32, #tpu.memory_space<hbm>>
      %dma_start3A_341 = tpu.memref_squeeze %dma_start3A_340 : memref<1x1x64xf32, #tpu.memory_space<hbm>> -> memref<64xf32, #tpu.memory_space<hbm>>
      tpu.enqueue_dma source(%dma_start3A_341 : memref<64xf32, #tpu.memory_space<hbm>>) target(%dma_start3A_338 : memref<64xf32, #tpu.memory_space<vmem>>) target_semaphore(%arg13 : memref<!tpu.dma_semaphore, #tpu.memory_space<semaphore_mem>>)
      %slice3A_342 = vector.extract_strided_slice %get3A_38 {offsets = [14], sizes = [1], strides = [1]} : vector<16xi32> to vector<1xi32>
      %squeeze3A_343 = vector.extract %slice3A_342[0] : i32 from vector<1xi32>
      %shift_right_arithmetic3A_344 = arith.constant 3 : i32
      %shift_right_arithmetic3A_345 = arith.shrsi %squeeze3A_343, %shift_right_arithmetic3A_344 : i32
      %and3A_346 = arith.constant 7 : i32
      %and3A_347 = arith.andi %squeeze3A_343, %and3A_346 : i32
      %mul3A_348 = arith.constant 16 : i32
      %mul3A_349 = arith.muli %scan3A_34, %mul3A_348 : i32
      %add3A_350 = arith.constant 14 : i32
      %add3A_351 = arith.addi %mul3A_349, %add3A_350 : i32
      %dma_start3A_352 = arith.constant 0 : i32
      %dma_start3A_353 = tpu.memref_slice %arg12[%add3A_351, %dma_start3A_352] : memref<512x64xf32, #tpu.memory_space<vmem>> -> memref<1x64xf32, #tpu.memory_space<vmem>>
      %dma_start3A_354 = tpu.memref_squeeze %dma_start3A_353 : memref<1x64xf32, #tpu.memory_space<vmem>> -> memref<64xf32, #tpu.memory_space<vmem>>
      %dma_start3A_355 = arith.constant 0 : i32
      %dma_start3A_356 = tpu.memref_slice %arg2[%shift_right_arithmetic3A_345, %and3A_347, %dma_start3A_355] : memref<125000x8x64xf32, #tpu.memory_space<hbm>> -> memref<1x1x64xf32, #tpu.memory_space<hbm>>
      %dma_start3A_357 = tpu.memref_squeeze %dma_start3A_356 : memref<1x1x64xf32, #tpu.memory_space<hbm>> -> memref<64xf32, #tpu.memory_space<hbm>>
      %dma_start3A_358 = arith.constant 0 : i32
      %dma_start3A_359 = tpu.memref_slice %arg12[%add3A_351, %dma_start3A_358] : memref<512x64xf32, #tpu.memory_space<vmem>> -> memref<1x64xf32, #tpu.memory_space<vmem>>
      %dma_start3A_360 = tpu.memref_squeeze %dma_start3A_359 : memref<1x64xf32, #tpu.memory_space<vmem>> -> memref<64xf32, #tpu.memory_space<vmem>>
      %dma_start3A_361 = arith.constant 0 : i32
      %dma_start3A_362 = tpu.memref_slice %arg2[%shift_right_arithmetic3A_345, %and3A_347, %dma_start3A_361] : memref<125000x8x64xf32, #tpu.memory_space<hbm>> -> memref<1x1x64xf32, #tpu.memory_space<hbm>>
      %dma_start3A_363 = tpu.memref_squeeze %dma_start3A_362 : memref<1x1x64xf32, #tpu.memory_space<hbm>> -> memref<64xf32, #tpu.memory_space<hbm>>
      tpu.enqueue_dma source(%dma_start3A_363 : memref<64xf32, #tpu.memory_space<hbm>>) target(%dma_start3A_360 : memref<64xf32, #tpu.memory_space<vmem>>) target_semaphore(%arg13 : memref<!tpu.dma_semaphore, #tpu.memory_space<semaphore_mem>>)
      %slice3A_364 = vector.extract_strided_slice %get3A_38 {offsets = [15], sizes = [1], strides = [1]} : vector<16xi32> to vector<1xi32>
      %squeeze3A_365 = vector.extract %slice3A_364[0] : i32 from vector<1xi32>
      %shift_right_arithmetic3A_366 = arith.constant 3 : i32
      %shift_right_arithmetic3A_367 = arith.shrsi %squeeze3A_365, %shift_right_arithmetic3A_366 : i32
      %and3A_368 = arith.constant 7 : i32
      %and3A_369 = arith.andi %squeeze3A_365, %and3A_368 : i32
      %mul3A_370 = arith.constant 16 : i32
      %mul3A_371 = arith.muli %scan3A_34, %mul3A_370 : i32
      %add3A_372 = arith.constant 15 : i32
      %add3A_373 = arith.addi %mul3A_371, %add3A_372 : i32
      %dma_start3A_374 = arith.constant 0 : i32
      %dma_start3A_375 = tpu.memref_slice %arg12[%add3A_373, %dma_start3A_374] : memref<512x64xf32, #tpu.memory_space<vmem>> -> memref<1x64xf32, #tpu.memory_space<vmem>>
      %dma_start3A_376 = tpu.memref_squeeze %dma_start3A_375 : memref<1x64xf32, #tpu.memory_space<vmem>> -> memref<64xf32, #tpu.memory_space<vmem>>
      %dma_start3A_377 = arith.constant 0 : i32
      %dma_start3A_378 = tpu.memref_slice %arg2[%shift_right_arithmetic3A_367, %and3A_369, %dma_start3A_377] : memref<125000x8x64xf32, #tpu.memory_space<hbm>> -> memref<1x1x64xf32, #tpu.memory_space<hbm>>
      %dma_start3A_379 = tpu.memref_squeeze %dma_start3A_378 : memref<1x1x64xf32, #tpu.memory_space<hbm>> -> memref<64xf32, #tpu.memory_space<hbm>>
      %dma_start3A_380 = arith.constant 0 : i32
      %dma_start3A_381 = tpu.memref_slice %arg12[%add3A_373, %dma_start3A_380] : memref<512x64xf32, #tpu.memory_space<vmem>> -> memref<1x64xf32, #tpu.memory_space<vmem>>
      %dma_start3A_382 = tpu.memref_squeeze %dma_start3A_381 : memref<1x64xf32, #tpu.memory_space<vmem>> -> memref<64xf32, #tpu.memory_space<vmem>>
      %dma_start3A_383 = arith.constant 0 : i32
      %dma_start3A_384 = tpu.memref_slice %arg2[%shift_right_arithmetic3A_367, %and3A_369, %dma_start3A_383] : memref<125000x8x64xf32, #tpu.memory_space<hbm>> -> memref<1x1x64xf32, #tpu.memory_space<hbm>>
      %dma_start3A_385 = tpu.memref_squeeze %dma_start3A_384 : memref<1x1x64xf32, #tpu.memory_space<hbm>> -> memref<64xf32, #tpu.memory_space<hbm>>
      tpu.enqueue_dma source(%dma_start3A_385 : memref<64xf32, #tpu.memory_space<hbm>>) target(%dma_start3A_382 : memref<64xf32, #tpu.memory_space<vmem>>) target_semaphore(%arg13 : memref<!tpu.dma_semaphore, #tpu.memory_space<semaphore_mem>>)
      %scan3A_386 = arith.constant 0 : i32
      scf.yield %scan3A_386 : i32
    }
    %scan3A_8 = arith.constant 32 : i32
    %dma_wait3A = arith.constant 0 : i32
    %dma_wait3A_9 = tpu.memref_slice %arg8[%mul3A_2, %dma_wait3A] : memref<16384x64xf32, #tpu.memory_space<hbm>> -> memref<512x64xf32, #tpu.memory_space<hbm>>
    %dma_wait3A_10 = arith.constant 0 : i32
    %dma_wait3A_11 = tpu.memref_slice %arg8[%mul3A_2, %dma_wait3A_10] : memref<16384x64xf32, #tpu.memory_space<hbm>> -> memref<512x64xf32, #tpu.memory_space<hbm>>
    tpu.wait_dma2 semaphore(%arg13 : memref<!tpu.dma_semaphore, #tpu.memory_space<semaphore_mem>>) src(%dma_wait3A_11 : memref<512x64xf32, #tpu.memory_space<hbm>>) dst(%arg12 : memref<512x64xf32, #tpu.memory_space<vmem>>)
    "tpu.region"() ({
      %run_scoped3A = tpu.sem_alloc : memref<!tpu.dma_semaphore, #tpu.memory_space<semaphore_mem>>
      %dma_start3A = arith.constant 0 : i32
      %dma_start3A_34 = tpu.memref_slice %arg8[%mul3A_2, %dma_start3A] : memref<16384x64xf32, #tpu.memory_space<hbm>> -> memref<512x64xf32, #tpu.memory_space<hbm>>
      %dma_start3A_35 = arith.constant 0 : i32
      %dma_start3A_36 = tpu.memref_slice %arg8[%mul3A_2, %dma_start3A_35] : memref<16384x64xf32, #tpu.memory_space<hbm>> -> memref<512x64xf32, #tpu.memory_space<hbm>>
      tpu.enqueue_dma source(%arg12 : memref<512x64xf32, #tpu.memory_space<vmem>>) target(%dma_start3A_36 : memref<512x64xf32, #tpu.memory_space<hbm>>) target_semaphore(%run_scoped3A : memref<!tpu.dma_semaphore, #tpu.memory_space<semaphore_mem>>)
      %dma_wait3A_37 = arith.constant 0 : i32
      %dma_wait3A_38 = tpu.memref_slice %arg8[%mul3A_2, %dma_wait3A_37] : memref<16384x64xf32, #tpu.memory_space<hbm>> -> memref<512x64xf32, #tpu.memory_space<hbm>>
      %dma_wait3A_39 = arith.constant 0 : i32
      %dma_wait3A_40 = tpu.memref_slice %arg8[%mul3A_2, %dma_wait3A_39] : memref<16384x64xf32, #tpu.memory_space<hbm>> -> memref<512x64xf32, #tpu.memory_space<hbm>>
      tpu.wait_dma2 semaphore(%run_scoped3A : memref<!tpu.dma_semaphore, #tpu.memory_space<semaphore_mem>>) src(%arg12 : memref<512x64xf32, #tpu.memory_space<vmem>>) dst(%dma_wait3A_40 : memref<512x64xf32, #tpu.memory_space<hbm>>)
      tpu.yield
    }) : () -> ()
    "tpu.region"() ({
      %run_scoped3A = tpu.sem_alloc : memref<!tpu.dma_semaphore, #tpu.memory_space<semaphore_mem>>
      %dma_start3A = tpu.memref_slice %arg6[%mul3A_2] : memref<16384xi32, #tpu.memory_space<hbm>> -> memref<512xi32, #tpu.memory_space<hbm>>
      %dma_start3A_34 = tpu.memref_slice %arg6[%mul3A_2] : memref<16384xi32, #tpu.memory_space<hbm>> -> memref<512xi32, #tpu.memory_space<hbm>>
      tpu.enqueue_dma source(%dma_start3A_34 : memref<512xi32, #tpu.memory_space<hbm>>) target(%arg11 : memref<512xi32, #tpu.memory_space<vmem>>) target_semaphore(%run_scoped3A : memref<!tpu.dma_semaphore, #tpu.memory_space<semaphore_mem>>)
      %dma_wait3A_35 = tpu.memref_slice %arg6[%mul3A_2] : memref<16384xi32, #tpu.memory_space<hbm>> -> memref<512xi32, #tpu.memory_space<hbm>>
      %dma_wait3A_36 = tpu.memref_slice %arg6[%mul3A_2] : memref<16384xi32, #tpu.memory_space<hbm>> -> memref<512xi32, #tpu.memory_space<hbm>>
      tpu.wait_dma2 semaphore(%run_scoped3A : memref<!tpu.dma_semaphore, #tpu.memory_space<semaphore_mem>>) src(%dma_wait3A_36 : memref<512xi32, #tpu.memory_space<hbm>>) dst(%arg11 : memref<512xi32, #tpu.memory_space<vmem>>)
      tpu.yield
    }) : () -> ()
    %scan3A_12 = arith.constant 0 : i32
    %scan3A_13 = arith.constant 0 : i32
    %scan3A_14 = arith.constant 32 : i32
    %scan3A_15 = arith.addi %scan3A_13, %scan3A_14 : i32
    %scan3A_16 = arith.constant 1 : i32
    %scan3A_17 = scf.for %scan3A_34 = %scan3A_13 to %scan3A_15 step %scan3A_16 iter_args(%scan3A_35 = %scan3A_12) -> (i32)  : i32 {
      %mul3A_36 = arith.constant 16 : i32
      %mul3A_37 = arith.muli %scan3A_34, %mul3A_36 : i32
      %get3A = arith.index_cast %mul3A_37 : i32 to index
      %get3A_38 = tpu.vector_load %arg11[%get3A] {strides = array<i32>} : memref<512xi32, #tpu.memory_space<vmem>>, vector<16xi32>,
      %slice3A = vector.extract_strided_slice %get3A_38 {offsets = [0], sizes = [1], strides = [1]} : vector<16xi32> to vector<1xi32>
      %squeeze3A = vector.extract %slice3A[0] : i32 from vector<1xi32>
      %shift_right_arithmetic3A = arith.constant 3 : i32
      %shift_right_arithmetic3A_39 = arith.shrsi %squeeze3A, %shift_right_arithmetic3A : i32
      %and3A = arith.constant 7 : i32
      %and3A_40 = arith.andi %squeeze3A, %and3A : i32
      %mul3A_41 = arith.constant 16 : i32
      %mul3A_42 = arith.muli %scan3A_34, %mul3A_41 : i32
      %add3A_43 = arith.constant 0 : i32
      %add3A_44 = arith.addi %mul3A_42, %add3A_43 : i32
      %dma_start3A = arith.constant 0 : i32
      %dma_start3A_45 = tpu.memref_slice %arg12[%add3A_44, %dma_start3A] : memref<512x64xf32, #tpu.memory_space<vmem>> -> memref<1x64xf32, #tpu.memory_space<vmem>>
      %dma_start3A_46 = tpu.memref_squeeze %dma_start3A_45 : memref<1x64xf32, #tpu.memory_space<vmem>> -> memref<64xf32, #tpu.memory_space<vmem>>
      %dma_start3A_47 = arith.constant 0 : i32
      %dma_start3A_48 = tpu.memref_slice %arg3[%shift_right_arithmetic3A_39, %and3A_40, %dma_start3A_47] : memref<12500x8x64xf32, #tpu.memory_space<hbm>> -> memref<1x1x64xf32, #tpu.memory_space<hbm>>
      %dma_start3A_49 = tpu.memref_squeeze %dma_start3A_48 : memref<1x1x64xf32, #tpu.memory_space<hbm>> -> memref<64xf32, #tpu.memory_space<hbm>>
      %dma_start3A_50 = arith.constant 0 : i32
      %dma_start3A_51 = tpu.memref_slice %arg12[%add3A_44, %dma_start3A_50] : memref<512x64xf32, #tpu.memory_space<vmem>> -> memref<1x64xf32, #tpu.memory_space<vmem>>
      %dma_start3A_52 = tpu.memref_squeeze %dma_start3A_51 : memref<1x64xf32, #tpu.memory_space<vmem>> -> memref<64xf32, #tpu.memory_space<vmem>>
      %dma_start3A_53 = arith.constant 0 : i32
      %dma_start3A_54 = tpu.memref_slice %arg3[%shift_right_arithmetic3A_39, %and3A_40, %dma_start3A_53] : memref<12500x8x64xf32, #tpu.memory_space<hbm>> -> memref<1x1x64xf32, #tpu.memory_space<hbm>>
      %dma_start3A_55 = tpu.memref_squeeze %dma_start3A_54 : memref<1x1x64xf32, #tpu.memory_space<hbm>> -> memref<64xf32, #tpu.memory_space<hbm>>
      tpu.enqueue_dma source(%dma_start3A_55 : memref<64xf32, #tpu.memory_space<hbm>>) target(%dma_start3A_52 : memref<64xf32, #tpu.memory_space<vmem>>) target_semaphore(%arg13 : memref<!tpu.dma_semaphore, #tpu.memory_space<semaphore_mem>>)
      %slice3A_56 = vector.extract_strided_slice %get3A_38 {offsets = [1], sizes = [1], strides = [1]} : vector<16xi32> to vector<1xi32>
      %squeeze3A_57 = vector.extract %slice3A_56[0] : i32 from vector<1xi32>
      %shift_right_arithmetic3A_58 = arith.constant 3 : i32
      %shift_right_arithmetic3A_59 = arith.shrsi %squeeze3A_57, %shift_right_arithmetic3A_58 : i32
      %and3A_60 = arith.constant 7 : i32
      %and3A_61 = arith.andi %squeeze3A_57, %and3A_60 : i32
      %mul3A_62 = arith.constant 16 : i32
      %mul3A_63 = arith.muli %scan3A_34, %mul3A_62 : i32
      %add3A_64 = arith.constant 1 : i32
      %add3A_65 = arith.addi %mul3A_63, %add3A_64 : i32
      %dma_start3A_66 = arith.constant 0 : i32
      %dma_start3A_67 = tpu.memref_slice %arg12[%add3A_65, %dma_start3A_66] : memref<512x64xf32, #tpu.memory_space<vmem>> -> memref<1x64xf32, #tpu.memory_space<vmem>>
      %dma_start3A_68 = tpu.memref_squeeze %dma_start3A_67 : memref<1x64xf32, #tpu.memory_space<vmem>> -> memref<64xf32, #tpu.memory_space<vmem>>
      %dma_start3A_69 = arith.constant 0 : i32
      %dma_start3A_70 = tpu.memref_slice %arg3[%shift_right_arithmetic3A_59, %and3A_61, %dma_start3A_69] : memref<12500x8x64xf32, #tpu.memory_space<hbm>> -> memref<1x1x64xf32, #tpu.memory_space<hbm>>
      %dma_start3A_71 = tpu.memref_squeeze %dma_start3A_70 : memref<1x1x64xf32, #tpu.memory_space<hbm>> -> memref<64xf32, #tpu.memory_space<hbm>>
      %dma_start3A_72 = arith.constant 0 : i32
      %dma_start3A_73 = tpu.memref_slice %arg12[%add3A_65, %dma_start3A_72] : memref<512x64xf32, #tpu.memory_space<vmem>> -> memref<1x64xf32, #tpu.memory_space<vmem>>
      %dma_start3A_74 = tpu.memref_squeeze %dma_start3A_73 : memref<1x64xf32, #tpu.memory_space<vmem>> -> memref<64xf32, #tpu.memory_space<vmem>>
      %dma_start3A_75 = arith.constant 0 : i32
      %dma_start3A_76 = tpu.memref_slice %arg3[%shift_right_arithmetic3A_59, %and3A_61, %dma_start3A_75] : memref<12500x8x64xf32, #tpu.memory_space<hbm>> -> memref<1x1x64xf32, #tpu.memory_space<hbm>>
      %dma_start3A_77 = tpu.memref_squeeze %dma_start3A_76 : memref<1x1x64xf32, #tpu.memory_space<hbm>> -> memref<64xf32, #tpu.memory_space<hbm>>
      tpu.enqueue_dma source(%dma_start3A_77 : memref<64xf32, #tpu.memory_space<hbm>>) target(%dma_start3A_74 : memref<64xf32, #tpu.memory_space<vmem>>) target_semaphore(%arg13 : memref<!tpu.dma_semaphore, #tpu.memory_space<semaphore_mem>>)
      %slice3A_78 = vector.extract_strided_slice %get3A_38 {offsets = [2], sizes = [1], strides = [1]} : vector<16xi32> to vector<1xi32>
      %squeeze3A_79 = vector.extract %slice3A_78[0] : i32 from vector<1xi32>
      %shift_right_arithmetic3A_80 = arith.constant 3 : i32
      %shift_right_arithmetic3A_81 = arith.shrsi %squeeze3A_79, %shift_right_arithmetic3A_80 : i32
      %and3A_82 = arith.constant 7 : i32
      %and3A_83 = arith.andi %squeeze3A_79, %and3A_82 : i32
      %mul3A_84 = arith.constant 16 : i32
      %mul3A_85 = arith.muli %scan3A_34, %mul3A_84 : i32
      %add3A_86 = arith.constant 2 : i32
      %add3A_87 = arith.addi %mul3A_85, %add3A_86 : i32
      %dma_start3A_88 = arith.constant 0 : i32
      %dma_start3A_89 = tpu.memref_slice %arg12[%add3A_87, %dma_start3A_88] : memref<512x64xf32, #tpu.memory_space<vmem>> -> memref<1x64xf32, #tpu.memory_space<vmem>>
      %dma_start3A_90 = tpu.memref_squeeze %dma_start3A_89 : memref<1x64xf32, #tpu.memory_space<vmem>> -> memref<64xf32, #tpu.memory_space<vmem>>
      %dma_start3A_91 = arith.constant 0 : i32
      %dma_start3A_92 = tpu.memref_slice %arg3[%shift_right_arithmetic3A_81, %and3A_83, %dma_start3A_91] : memref<12500x8x64xf32, #tpu.memory_space<hbm>> -> memref<1x1x64xf32, #tpu.memory_space<hbm>>
      %dma_start3A_93 = tpu.memref_squeeze %dma_start3A_92 : memref<1x1x64xf32, #tpu.memory_space<hbm>> -> memref<64xf32, #tpu.memory_space<hbm>>
      %dma_start3A_94 = arith.constant 0 : i32
      %dma_start3A_95 = tpu.memref_slice %arg12[%add3A_87, %dma_start3A_94] : memref<512x64xf32, #tpu.memory_space<vmem>> -> memref<1x64xf32, #tpu.memory_space<vmem>>
      %dma_start3A_96 = tpu.memref_squeeze %dma_start3A_95 : memref<1x64xf32, #tpu.memory_space<vmem>> -> memref<64xf32, #tpu.memory_space<vmem>>
      %dma_start3A_97 = arith.constant 0 : i32
      %dma_start3A_98 = tpu.memref_slice %arg3[%shift_right_arithmetic3A_81, %and3A_83, %dma_start3A_97] : memref<12500x8x64xf32, #tpu.memory_space<hbm>> -> memref<1x1x64xf32, #tpu.memory_space<hbm>>
      %dma_start3A_99 = tpu.memref_squeeze %dma_start3A_98 : memref<1x1x64xf32, #tpu.memory_space<hbm>> -> memref<64xf32, #tpu.memory_space<hbm>>
      tpu.enqueue_dma source(%dma_start3A_99 : memref<64xf32, #tpu.memory_space<hbm>>) target(%dma_start3A_96 : memref<64xf32, #tpu.memory_space<vmem>>) target_semaphore(%arg13 : memref<!tpu.dma_semaphore, #tpu.memory_space<semaphore_mem>>)
      %slice3A_100 = vector.extract_strided_slice %get3A_38 {offsets = [3], sizes = [1], strides = [1]} : vector<16xi32> to vector<1xi32>
      %squeeze3A_101 = vector.extract %slice3A_100[0] : i32 from vector<1xi32>
      %shift_right_arithmetic3A_102 = arith.constant 3 : i32
      %shift_right_arithmetic3A_103 = arith.shrsi %squeeze3A_101, %shift_right_arithmetic3A_102 : i32
      %and3A_104 = arith.constant 7 : i32
      %and3A_105 = arith.andi %squeeze3A_101, %and3A_104 : i32
      %mul3A_106 = arith.constant 16 : i32
      %mul3A_107 = arith.muli %scan3A_34, %mul3A_106 : i32
      %add3A_108 = arith.constant 3 : i32
      %add3A_109 = arith.addi %mul3A_107, %add3A_108 : i32
      %dma_start3A_110 = arith.constant 0 : i32
      %dma_start3A_111 = tpu.memref_slice %arg12[%add3A_109, %dma_start3A_110] : memref<512x64xf32, #tpu.memory_space<vmem>> -> memref<1x64xf32, #tpu.memory_space<vmem>>
      %dma_start3A_112 = tpu.memref_squeeze %dma_start3A_111 : memref<1x64xf32, #tpu.memory_space<vmem>> -> memref<64xf32, #tpu.memory_space<vmem>>
      %dma_start3A_113 = arith.constant 0 : i32
      %dma_start3A_114 = tpu.memref_slice %arg3[%shift_right_arithmetic3A_103, %and3A_105, %dma_start3A_113] : memref<12500x8x64xf32, #tpu.memory_space<hbm>> -> memref<1x1x64xf32, #tpu.memory_space<hbm>>
      %dma_start3A_115 = tpu.memref_squeeze %dma_start3A_114 : memref<1x1x64xf32, #tpu.memory_space<hbm>> -> memref<64xf32, #tpu.memory_space<hbm>>
      %dma_start3A_116 = arith.constant 0 : i32
      %dma_start3A_117 = tpu.memref_slice %arg12[%add3A_109, %dma_start3A_116] : memref<512x64xf32, #tpu.memory_space<vmem>> -> memref<1x64xf32, #tpu.memory_space<vmem>>
      %dma_start3A_118 = tpu.memref_squeeze %dma_start3A_117 : memref<1x64xf32, #tpu.memory_space<vmem>> -> memref<64xf32, #tpu.memory_space<vmem>>
      %dma_start3A_119 = arith.constant 0 : i32
      %dma_start3A_120 = tpu.memref_slice %arg3[%shift_right_arithmetic3A_103, %and3A_105, %dma_start3A_119] : memref<12500x8x64xf32, #tpu.memory_space<hbm>> -> memref<1x1x64xf32, #tpu.memory_space<hbm>>
      %dma_start3A_121 = tpu.memref_squeeze %dma_start3A_120 : memref<1x1x64xf32, #tpu.memory_space<hbm>> -> memref<64xf32, #tpu.memory_space<hbm>>
      tpu.enqueue_dma source(%dma_start3A_121 : memref<64xf32, #tpu.memory_space<hbm>>) target(%dma_start3A_118 : memref<64xf32, #tpu.memory_space<vmem>>) target_semaphore(%arg13 : memref<!tpu.dma_semaphore, #tpu.memory_space<semaphore_mem>>)
      %slice3A_122 = vector.extract_strided_slice %get3A_38 {offsets = [4], sizes = [1], strides = [1]} : vector<16xi32> to vector<1xi32>
      %squeeze3A_123 = vector.extract %slice3A_122[0] : i32 from vector<1xi32>
      %shift_right_arithmetic3A_124 = arith.constant 3 : i32
      %shift_right_arithmetic3A_125 = arith.shrsi %squeeze3A_123, %shift_right_arithmetic3A_124 : i32
      %and3A_126 = arith.constant 7 : i32
      %and3A_127 = arith.andi %squeeze3A_123, %and3A_126 : i32
      %mul3A_128 = arith.constant 16 : i32
      %mul3A_129 = arith.muli %scan3A_34, %mul3A_128 : i32
      %add3A_130 = arith.constant 4 : i32
      %add3A_131 = arith.addi %mul3A_129, %add3A_130 : i32
      %dma_start3A_132 = arith.constant 0 : i32
      %dma_start3A_133 = tpu.memref_slice %arg12[%add3A_131, %dma_start3A_132] : memref<512x64xf32, #tpu.memory_space<vmem>> -> memref<1x64xf32, #tpu.memory_space<vmem>>
      %dma_start3A_134 = tpu.memref_squeeze %dma_start3A_133 : memref<1x64xf32, #tpu.memory_space<vmem>> -> memref<64xf32, #tpu.memory_space<vmem>>
      %dma_start3A_135 = arith.constant 0 : i32
      %dma_start3A_136 = tpu.memref_slice %arg3[%shift_right_arithmetic3A_125, %and3A_127, %dma_start3A_135] : memref<12500x8x64xf32, #tpu.memory_space<hbm>> -> memref<1x1x64xf32, #tpu.memory_space<hbm>>
      %dma_start3A_137 = tpu.memref_squeeze %dma_start3A_136 : memref<1x1x64xf32, #tpu.memory_space<hbm>> -> memref<64xf32, #tpu.memory_space<hbm>>
      %dma_start3A_138 = arith.constant 0 : i32
      %dma_start3A_139 = tpu.memref_slice %arg12[%add3A_131, %dma_start3A_138] : memref<512x64xf32, #tpu.memory_space<vmem>> -> memref<1x64xf32, #tpu.memory_space<vmem>>
      %dma_start3A_140 = tpu.memref_squeeze %dma_start3A_139 : memref<1x64xf32, #tpu.memory_space<vmem>> -> memref<64xf32, #tpu.memory_space<vmem>>
      %dma_start3A_141 = arith.constant 0 : i32
      %dma_start3A_142 = tpu.memref_slice %arg3[%shift_right_arithmetic3A_125, %and3A_127, %dma_start3A_141] : memref<12500x8x64xf32, #tpu.memory_space<hbm>> -> memref<1x1x64xf32, #tpu.memory_space<hbm>>
      %dma_start3A_143 = tpu.memref_squeeze %dma_start3A_142 : memref<1x1x64xf32, #tpu.memory_space<hbm>> -> memref<64xf32, #tpu.memory_space<hbm>>
      tpu.enqueue_dma source(%dma_start3A_143 : memref<64xf32, #tpu.memory_space<hbm>>) target(%dma_start3A_140 : memref<64xf32, #tpu.memory_space<vmem>>) target_semaphore(%arg13 : memref<!tpu.dma_semaphore, #tpu.memory_space<semaphore_mem>>)
      %slice3A_144 = vector.extract_strided_slice %get3A_38 {offsets = [5], sizes = [1], strides = [1]} : vector<16xi32> to vector<1xi32>
      %squeeze3A_145 = vector.extract %slice3A_144[0] : i32 from vector<1xi32>
      %shift_right_arithmetic3A_146 = arith.constant 3 : i32
      %shift_right_arithmetic3A_147 = arith.shrsi %squeeze3A_145, %shift_right_arithmetic3A_146 : i32
      %and3A_148 = arith.constant 7 : i32
      %and3A_149 = arith.andi %squeeze3A_145, %and3A_148 : i32
      %mul3A_150 = arith.constant 16 : i32
      %mul3A_151 = arith.muli %scan3A_34, %mul3A_150 : i32
      %add3A_152 = arith.constant 5 : i32
      %add3A_153 = arith.addi %mul3A_151, %add3A_152 : i32
      %dma_start3A_154 = arith.constant 0 : i32
      %dma_start3A_155 = tpu.memref_slice %arg12[%add3A_153, %dma_start3A_154] : memref<512x64xf32, #tpu.memory_space<vmem>> -> memref<1x64xf32, #tpu.memory_space<vmem>>
      %dma_start3A_156 = tpu.memref_squeeze %dma_start3A_155 : memref<1x64xf32, #tpu.memory_space<vmem>> -> memref<64xf32, #tpu.memory_space<vmem>>
      %dma_start3A_157 = arith.constant 0 : i32
      %dma_start3A_158 = tpu.memref_slice %arg3[%shift_right_arithmetic3A_147, %and3A_149, %dma_start3A_157] : memref<12500x8x64xf32, #tpu.memory_space<hbm>> -> memref<1x1x64xf32, #tpu.memory_space<hbm>>
      %dma_start3A_159 = tpu.memref_squeeze %dma_start3A_158 : memref<1x1x64xf32, #tpu.memory_space<hbm>> -> memref<64xf32, #tpu.memory_space<hbm>>
      %dma_start3A_160 = arith.constant 0 : i32
      %dma_start3A_161 = tpu.memref_slice %arg12[%add3A_153, %dma_start3A_160] : memref<512x64xf32, #tpu.memory_space<vmem>> -> memref<1x64xf32, #tpu.memory_space<vmem>>
      %dma_start3A_162 = tpu.memref_squeeze %dma_start3A_161 : memref<1x64xf32, #tpu.memory_space<vmem>> -> memref<64xf32, #tpu.memory_space<vmem>>
      %dma_start3A_163 = arith.constant 0 : i32
      %dma_start3A_164 = tpu.memref_slice %arg3[%shift_right_arithmetic3A_147, %and3A_149, %dma_start3A_163] : memref<12500x8x64xf32, #tpu.memory_space<hbm>> -> memref<1x1x64xf32, #tpu.memory_space<hbm>>
      %dma_start3A_165 = tpu.memref_squeeze %dma_start3A_164 : memref<1x1x64xf32, #tpu.memory_space<hbm>> -> memref<64xf32, #tpu.memory_space<hbm>>
      tpu.enqueue_dma source(%dma_start3A_165 : memref<64xf32, #tpu.memory_space<hbm>>) target(%dma_start3A_162 : memref<64xf32, #tpu.memory_space<vmem>>) target_semaphore(%arg13 : memref<!tpu.dma_semaphore, #tpu.memory_space<semaphore_mem>>)
      %slice3A_166 = vector.extract_strided_slice %get3A_38 {offsets = [6], sizes = [1], strides = [1]} : vector<16xi32> to vector<1xi32>
      %squeeze3A_167 = vector.extract %slice3A_166[0] : i32 from vector<1xi32>
      %shift_right_arithmetic3A_168 = arith.constant 3 : i32
      %shift_right_arithmetic3A_169 = arith.shrsi %squeeze3A_167, %shift_right_arithmetic3A_168 : i32
      %and3A_170 = arith.constant 7 : i32
      %and3A_171 = arith.andi %squeeze3A_167, %and3A_170 : i32
      %mul3A_172 = arith.constant 16 : i32
      %mul3A_173 = arith.muli %scan3A_34, %mul3A_172 : i32
      %add3A_174 = arith.constant 6 : i32
      %add3A_175 = arith.addi %mul3A_173, %add3A_174 : i32
      %dma_start3A_176 = arith.constant 0 : i32
      %dma_start3A_177 = tpu.memref_slice %arg12[%add3A_175, %dma_start3A_176] : memref<512x64xf32, #tpu.memory_space<vmem>> -> memref<1x64xf32, #tpu.memory_space<vmem>>
      %dma_start3A_178 = tpu.memref_squeeze %dma_start3A_177 : memref<1x64xf32, #tpu.memory_space<vmem>> -> memref<64xf32, #tpu.memory_space<vmem>>
      %dma_start3A_179 = arith.constant 0 : i32
      %dma_start3A_180 = tpu.memref_slice %arg3[%shift_right_arithmetic3A_169, %and3A_171, %dma_start3A_179] : memref<12500x8x64xf32, #tpu.memory_space<hbm>> -> memref<1x1x64xf32, #tpu.memory_space<hbm>>
      %dma_start3A_181 = tpu.memref_squeeze %dma_start3A_180 : memref<1x1x64xf32, #tpu.memory_space<hbm>> -> memref<64xf32, #tpu.memory_space<hbm>>
      %dma_start3A_182 = arith.constant 0 : i32
      %dma_start3A_183 = tpu.memref_slice %arg12[%add3A_175, %dma_start3A_182] : memref<512x64xf32, #tpu.memory_space<vmem>> -> memref<1x64xf32, #tpu.memory_space<vmem>>
      %dma_start3A_184 = tpu.memref_squeeze %dma_start3A_183 : memref<1x64xf32, #tpu.memory_space<vmem>> -> memref<64xf32, #tpu.memory_space<vmem>>
      %dma_start3A_185 = arith.constant 0 : i32
      %dma_start3A_186 = tpu.memref_slice %arg3[%shift_right_arithmetic3A_169, %and3A_171, %dma_start3A_185] : memref<12500x8x64xf32, #tpu.memory_space<hbm>> -> memref<1x1x64xf32, #tpu.memory_space<hbm>>
      %dma_start3A_187 = tpu.memref_squeeze %dma_start3A_186 : memref<1x1x64xf32, #tpu.memory_space<hbm>> -> memref<64xf32, #tpu.memory_space<hbm>>
      tpu.enqueue_dma source(%dma_start3A_187 : memref<64xf32, #tpu.memory_space<hbm>>) target(%dma_start3A_184 : memref<64xf32, #tpu.memory_space<vmem>>) target_semaphore(%arg13 : memref<!tpu.dma_semaphore, #tpu.memory_space<semaphore_mem>>)
      %slice3A_188 = vector.extract_strided_slice %get3A_38 {offsets = [7], sizes = [1], strides = [1]} : vector<16xi32> to vector<1xi32>
      %squeeze3A_189 = vector.extract %slice3A_188[0] : i32 from vector<1xi32>
      %shift_right_arithmetic3A_190 = arith.constant 3 : i32
      %shift_right_arithmetic3A_191 = arith.shrsi %squeeze3A_189, %shift_right_arithmetic3A_190 : i32
      %and3A_192 = arith.constant 7 : i32
      %and3A_193 = arith.andi %squeeze3A_189, %and3A_192 : i32
      %mul3A_194 = arith.constant 16 : i32
      %mul3A_195 = arith.muli %scan3A_34, %mul3A_194 : i32
      %add3A_196 = arith.constant 7 : i32
      %add3A_197 = arith.addi %mul3A_195, %add3A_196 : i32
      %dma_start3A_198 = arith.constant 0 : i32
      %dma_start3A_199 = tpu.memref_slice %arg12[%add3A_197, %dma_start3A_198] : memref<512x64xf32, #tpu.memory_space<vmem>> -> memref<1x64xf32, #tpu.memory_space<vmem>>
      %dma_start3A_200 = tpu.memref_squeeze %dma_start3A_199 : memref<1x64xf32, #tpu.memory_space<vmem>> -> memref<64xf32, #tpu.memory_space<vmem>>
      %dma_start3A_201 = arith.constant 0 : i32
      %dma_start3A_202 = tpu.memref_slice %arg3[%shift_right_arithmetic3A_191, %and3A_193, %dma_start3A_201] : memref<12500x8x64xf32, #tpu.memory_space<hbm>> -> memref<1x1x64xf32, #tpu.memory_space<hbm>>
      %dma_start3A_203 = tpu.memref_squeeze %dma_start3A_202 : memref<1x1x64xf32, #tpu.memory_space<hbm>> -> memref<64xf32, #tpu.memory_space<hbm>>
      %dma_start3A_204 = arith.constant 0 : i32
      %dma_start3A_205 = tpu.memref_slice %arg12[%add3A_197, %dma_start3A_204] : memref<512x64xf32, #tpu.memory_space<vmem>> -> memref<1x64xf32, #tpu.memory_space<vmem>>
      %dma_start3A_206 = tpu.memref_squeeze %dma_start3A_205 : memref<1x64xf32, #tpu.memory_space<vmem>> -> memref<64xf32, #tpu.memory_space<vmem>>
      %dma_start3A_207 = arith.constant 0 : i32
      %dma_start3A_208 = tpu.memref_slice %arg3[%shift_right_arithmetic3A_191, %and3A_193, %dma_start3A_207] : memref<12500x8x64xf32, #tpu.memory_space<hbm>> -> memref<1x1x64xf32, #tpu.memory_space<hbm>>
      %dma_start3A_209 = tpu.memref_squeeze %dma_start3A_208 : memref<1x1x64xf32, #tpu.memory_space<hbm>> -> memref<64xf32, #tpu.memory_space<hbm>>
      tpu.enqueue_dma source(%dma_start3A_209 : memref<64xf32, #tpu.memory_space<hbm>>) target(%dma_start3A_206 : memref<64xf32, #tpu.memory_space<vmem>>) target_semaphore(%arg13 : memref<!tpu.dma_semaphore, #tpu.memory_space<semaphore_mem>>)
      %slice3A_210 = vector.extract_strided_slice %get3A_38 {offsets = [8], sizes = [1], strides = [1]} : vector<16xi32> to vector<1xi32>
      %squeeze3A_211 = vector.extract %slice3A_210[0] : i32 from vector<1xi32>
      %shift_right_arithmetic3A_212 = arith.constant 3 : i32
      %shift_right_arithmetic3A_213 = arith.shrsi %squeeze3A_211, %shift_right_arithmetic3A_212 : i32
      %and3A_214 = arith.constant 7 : i32
      %and3A_215 = arith.andi %squeeze3A_211, %and3A_214 : i32
      %mul3A_216 = arith.constant 16 : i32
      %mul3A_217 = arith.muli %scan3A_34, %mul3A_216 : i32
      %add3A_218 = arith.constant 8 : i32
      %add3A_219 = arith.addi %mul3A_217, %add3A_218 : i32
      %dma_start3A_220 = arith.constant 0 : i32
      %dma_start3A_221 = tpu.memref_slice %arg12[%add3A_219, %dma_start3A_220] : memref<512x64xf32, #tpu.memory_space<vmem>> -> memref<1x64xf32, #tpu.memory_space<vmem>>
      %dma_start3A_222 = tpu.memref_squeeze %dma_start3A_221 : memref<1x64xf32, #tpu.memory_space<vmem>> -> memref<64xf32, #tpu.memory_space<vmem>>
      %dma_start3A_223 = arith.constant 0 : i32
      %dma_start3A_224 = tpu.memref_slice %arg3[%shift_right_arithmetic3A_213, %and3A_215, %dma_start3A_223] : memref<12500x8x64xf32, #tpu.memory_space<hbm>> -> memref<1x1x64xf32, #tpu.memory_space<hbm>>
      %dma_start3A_225 = tpu.memref_squeeze %dma_start3A_224 : memref<1x1x64xf32, #tpu.memory_space<hbm>> -> memref<64xf32, #tpu.memory_space<hbm>>
      %dma_start3A_226 = arith.constant 0 : i32
      %dma_start3A_227 = tpu.memref_slice %arg12[%add3A_219, %dma_start3A_226] : memref<512x64xf32, #tpu.memory_space<vmem>> -> memref<1x64xf32, #tpu.memory_space<vmem>>
      %dma_start3A_228 = tpu.memref_squeeze %dma_start3A_227 : memref<1x64xf32, #tpu.memory_space<vmem>> -> memref<64xf32, #tpu.memory_space<vmem>>
      %dma_start3A_229 = arith.constant 0 : i32
      %dma_start3A_230 = tpu.memref_slice %arg3[%shift_right_arithmetic3A_213, %and3A_215, %dma_start3A_229] : memref<12500x8x64xf32, #tpu.memory_space<hbm>> -> memref<1x1x64xf32, #tpu.memory_space<hbm>>
      %dma_start3A_231 = tpu.memref_squeeze %dma_start3A_230 : memref<1x1x64xf32, #tpu.memory_space<hbm>> -> memref<64xf32, #tpu.memory_space<hbm>>
      tpu.enqueue_dma source(%dma_start3A_231 : memref<64xf32, #tpu.memory_space<hbm>>) target(%dma_start3A_228 : memref<64xf32, #tpu.memory_space<vmem>>) target_semaphore(%arg13 : memref<!tpu.dma_semaphore, #tpu.memory_space<semaphore_mem>>)
      %slice3A_232 = vector.extract_strided_slice %get3A_38 {offsets = [9], sizes = [1], strides = [1]} : vector<16xi32> to vector<1xi32>
      %squeeze3A_233 = vector.extract %slice3A_232[0] : i32 from vector<1xi32>
      %shift_right_arithmetic3A_234 = arith.constant 3 : i32
      %shift_right_arithmetic3A_235 = arith.shrsi %squeeze3A_233, %shift_right_arithmetic3A_234 : i32
      %and3A_236 = arith.constant 7 : i32
      %and3A_237 = arith.andi %squeeze3A_233, %and3A_236 : i32
      %mul3A_238 = arith.constant 16 : i32
      %mul3A_239 = arith.muli %scan3A_34, %mul3A_238 : i32
      %add3A_240 = arith.constant 9 : i32
      %add3A_241 = arith.addi %mul3A_239, %add3A_240 : i32
      %dma_start3A_242 = arith.constant 0 : i32
      %dma_start3A_243 = tpu.memref_slice %arg12[%add3A_241, %dma_start3A_242] : memref<512x64xf32, #tpu.memory_space<vmem>> -> memref<1x64xf32, #tpu.memory_space<vmem>>
      %dma_start3A_244 = tpu.memref_squeeze %dma_start3A_243 : memref<1x64xf32, #tpu.memory_space<vmem>> -> memref<64xf32, #tpu.memory_space<vmem>>
      %dma_start3A_245 = arith.constant 0 : i32
      %dma_start3A_246 = tpu.memref_slice %arg3[%shift_right_arithmetic3A_235, %and3A_237, %dma_start3A_245] : memref<12500x8x64xf32, #tpu.memory_space<hbm>> -> memref<1x1x64xf32, #tpu.memory_space<hbm>>
      %dma_start3A_247 = tpu.memref_squeeze %dma_start3A_246 : memref<1x1x64xf32, #tpu.memory_space<hbm>> -> memref<64xf32, #tpu.memory_space<hbm>>
      %dma_start3A_248 = arith.constant 0 : i32
      %dma_start3A_249 = tpu.memref_slice %arg12[%add3A_241, %dma_start3A_248] : memref<512x64xf32, #tpu.memory_space<vmem>> -> memref<1x64xf32, #tpu.memory_space<vmem>>
      %dma_start3A_250 = tpu.memref_squeeze %dma_start3A_249 : memref<1x64xf32, #tpu.memory_space<vmem>> -> memref<64xf32, #tpu.memory_space<vmem>>
      %dma_start3A_251 = arith.constant 0 : i32
      %dma_start3A_252 = tpu.memref_slice %arg3[%shift_right_arithmetic3A_235, %and3A_237, %dma_start3A_251] : memref<12500x8x64xf32, #tpu.memory_space<hbm>> -> memref<1x1x64xf32, #tpu.memory_space<hbm>>
      %dma_start3A_253 = tpu.memref_squeeze %dma_start3A_252 : memref<1x1x64xf32, #tpu.memory_space<hbm>> -> memref<64xf32, #tpu.memory_space<hbm>>
      tpu.enqueue_dma source(%dma_start3A_253 : memref<64xf32, #tpu.memory_space<hbm>>) target(%dma_start3A_250 : memref<64xf32, #tpu.memory_space<vmem>>) target_semaphore(%arg13 : memref<!tpu.dma_semaphore, #tpu.memory_space<semaphore_mem>>)
      %slice3A_254 = vector.extract_strided_slice %get3A_38 {offsets = [10], sizes = [1], strides = [1]} : vector<16xi32> to vector<1xi32>
      %squeeze3A_255 = vector.extract %slice3A_254[0] : i32 from vector<1xi32>
      %shift_right_arithmetic3A_256 = arith.constant 3 : i32
      %shift_right_arithmetic3A_257 = arith.shrsi %squeeze3A_255, %shift_right_arithmetic3A_256 : i32
      %and3A_258 = arith.constant 7 : i32
      %and3A_259 = arith.andi %squeeze3A_255, %and3A_258 : i32
      %mul3A_260 = arith.constant 16 : i32
      %mul3A_261 = arith.muli %scan3A_34, %mul3A_260 : i32
      %add3A_262 = arith.constant 10 : i32
      %add3A_263 = arith.addi %mul3A_261, %add3A_262 : i32
      %dma_start3A_264 = arith.constant 0 : i32
      %dma_start3A_265 = tpu.memref_slice %arg12[%add3A_263, %dma_start3A_264] : memref<512x64xf32, #tpu.memory_space<vmem>> -> memref<1x64xf32, #tpu.memory_space<vmem>>
      %dma_start3A_266 = tpu.memref_squeeze %dma_start3A_265 : memref<1x64xf32, #tpu.memory_space<vmem>> -> memref<64xf32, #tpu.memory_space<vmem>>
      %dma_start3A_267 = arith.constant 0 : i32
      %dma_start3A_268 = tpu.memref_slice %arg3[%shift_right_arithmetic3A_257, %and3A_259, %dma_start3A_267] : memref<12500x8x64xf32, #tpu.memory_space<hbm>> -> memref<1x1x64xf32, #tpu.memory_space<hbm>>
      %dma_start3A_269 = tpu.memref_squeeze %dma_start3A_268 : memref<1x1x64xf32, #tpu.memory_space<hbm>> -> memref<64xf32, #tpu.memory_space<hbm>>
      %dma_start3A_270 = arith.constant 0 : i32
      %dma_start3A_271 = tpu.memref_slice %arg12[%add3A_263, %dma_start3A_270] : memref<512x64xf32, #tpu.memory_space<vmem>> -> memref<1x64xf32, #tpu.memory_space<vmem>>
      %dma_start3A_272 = tpu.memref_squeeze %dma_start3A_271 : memref<1x64xf32, #tpu.memory_space<vmem>> -> memref<64xf32, #tpu.memory_space<vmem>>
      %dma_start3A_273 = arith.constant 0 : i32
      %dma_start3A_274 = tpu.memref_slice %arg3[%shift_right_arithmetic3A_257, %and3A_259, %dma_start3A_273] : memref<12500x8x64xf32, #tpu.memory_space<hbm>> -> memref<1x1x64xf32, #tpu.memory_space<hbm>>
      %dma_start3A_275 = tpu.memref_squeeze %dma_start3A_274 : memref<1x1x64xf32, #tpu.memory_space<hbm>> -> memref<64xf32, #tpu.memory_space<hbm>>
      tpu.enqueue_dma source(%dma_start3A_275 : memref<64xf32, #tpu.memory_space<hbm>>) target(%dma_start3A_272 : memref<64xf32, #tpu.memory_space<vmem>>) target_semaphore(%arg13 : memref<!tpu.dma_semaphore, #tpu.memory_space<semaphore_mem>>)
      %slice3A_276 = vector.extract_strided_slice %get3A_38 {offsets = [11], sizes = [1], strides = [1]} : vector<16xi32> to vector<1xi32>
      %squeeze3A_277 = vector.extract %slice3A_276[0] : i32 from vector<1xi32>
      %shift_right_arithmetic3A_278 = arith.constant 3 : i32
      %shift_right_arithmetic3A_279 = arith.shrsi %squeeze3A_277, %shift_right_arithmetic3A_278 : i32
      %and3A_280 = arith.constant 7 : i32
      %and3A_281 = arith.andi %squeeze3A_277, %and3A_280 : i32
      %mul3A_282 = arith.constant 16 : i32
      %mul3A_283 = arith.muli %scan3A_34, %mul3A_282 : i32
      %add3A_284 = arith.constant 11 : i32
      %add3A_285 = arith.addi %mul3A_283, %add3A_284 : i32
      %dma_start3A_286 = arith.constant 0 : i32
      %dma_start3A_287 = tpu.memref_slice %arg12[%add3A_285, %dma_start3A_286] : memref<512x64xf32, #tpu.memory_space<vmem>> -> memref<1x64xf32, #tpu.memory_space<vmem>>
      %dma_start3A_288 = tpu.memref_squeeze %dma_start3A_287 : memref<1x64xf32, #tpu.memory_space<vmem>> -> memref<64xf32, #tpu.memory_space<vmem>>
      %dma_start3A_289 = arith.constant 0 : i32
      %dma_start3A_290 = tpu.memref_slice %arg3[%shift_right_arithmetic3A_279, %and3A_281, %dma_start3A_289] : memref<12500x8x64xf32, #tpu.memory_space<hbm>> -> memref<1x1x64xf32, #tpu.memory_space<hbm>>
      %dma_start3A_291 = tpu.memref_squeeze %dma_start3A_290 : memref<1x1x64xf32, #tpu.memory_space<hbm>> -> memref<64xf32, #tpu.memory_space<hbm>>
      %dma_start3A_292 = arith.constant 0 : i32
      %dma_start3A_293 = tpu.memref_slice %arg12[%add3A_285, %dma_start3A_292] : memref<512x64xf32, #tpu.memory_space<vmem>> -> memref<1x64xf32, #tpu.memory_space<vmem>>
      %dma_start3A_294 = tpu.memref_squeeze %dma_start3A_293 : memref<1x64xf32, #tpu.memory_space<vmem>> -> memref<64xf32, #tpu.memory_space<vmem>>
      %dma_start3A_295 = arith.constant 0 : i32
      %dma_start3A_296 = tpu.memref_slice %arg3[%shift_right_arithmetic3A_279, %and3A_281, %dma_start3A_295] : memref<12500x8x64xf32, #tpu.memory_space<hbm>> -> memref<1x1x64xf32, #tpu.memory_space<hbm>>
      %dma_start3A_297 = tpu.memref_squeeze %dma_start3A_296 : memref<1x1x64xf32, #tpu.memory_space<hbm>> -> memref<64xf32, #tpu.memory_space<hbm>>
      tpu.enqueue_dma source(%dma_start3A_297 : memref<64xf32, #tpu.memory_space<hbm>>) target(%dma_start3A_294 : memref<64xf32, #tpu.memory_space<vmem>>) target_semaphore(%arg13 : memref<!tpu.dma_semaphore, #tpu.memory_space<semaphore_mem>>)
      %slice3A_298 = vector.extract_strided_slice %get3A_38 {offsets = [12], sizes = [1], strides = [1]} : vector<16xi32> to vector<1xi32>
      %squeeze3A_299 = vector.extract %slice3A_298[0] : i32 from vector<1xi32>
      %shift_right_arithmetic3A_300 = arith.constant 3 : i32
      %shift_right_arithmetic3A_301 = arith.shrsi %squeeze3A_299, %shift_right_arithmetic3A_300 : i32
      %and3A_302 = arith.constant 7 : i32
      %and3A_303 = arith.andi %squeeze3A_299, %and3A_302 : i32
      %mul3A_304 = arith.constant 16 : i32
      %mul3A_305 = arith.muli %scan3A_34, %mul3A_304 : i32
      %add3A_306 = arith.constant 12 : i32
      %add3A_307 = arith.addi %mul3A_305, %add3A_306 : i32
      %dma_start3A_308 = arith.constant 0 : i32
      %dma_start3A_309 = tpu.memref_slice %arg12[%add3A_307, %dma_start3A_308] : memref<512x64xf32, #tpu.memory_space<vmem>> -> memref<1x64xf32, #tpu.memory_space<vmem>>
      %dma_start3A_310 = tpu.memref_squeeze %dma_start3A_309 : memref<1x64xf32, #tpu.memory_space<vmem>> -> memref<64xf32, #tpu.memory_space<vmem>>
      %dma_start3A_311 = arith.constant 0 : i32
      %dma_start3A_312 = tpu.memref_slice %arg3[%shift_right_arithmetic3A_301, %and3A_303, %dma_start3A_311] : memref<12500x8x64xf32, #tpu.memory_space<hbm>> -> memref<1x1x64xf32, #tpu.memory_space<hbm>>
      %dma_start3A_313 = tpu.memref_squeeze %dma_start3A_312 : memref<1x1x64xf32, #tpu.memory_space<hbm>> -> memref<64xf32, #tpu.memory_space<hbm>>
      %dma_start3A_314 = arith.constant 0 : i32
      %dma_start3A_315 = tpu.memref_slice %arg12[%add3A_307, %dma_start3A_314] : memref<512x64xf32, #tpu.memory_space<vmem>> -> memref<1x64xf32, #tpu.memory_space<vmem>>
      %dma_start3A_316 = tpu.memref_squeeze %dma_start3A_315 : memref<1x64xf32, #tpu.memory_space<vmem>> -> memref<64xf32, #tpu.memory_space<vmem>>
      %dma_start3A_317 = arith.constant 0 : i32
      %dma_start3A_318 = tpu.memref_slice %arg3[%shift_right_arithmetic3A_301, %and3A_303, %dma_start3A_317] : memref<12500x8x64xf32, #tpu.memory_space<hbm>> -> memref<1x1x64xf32, #tpu.memory_space<hbm>>
      %dma_start3A_319 = tpu.memref_squeeze %dma_start3A_318 : memref<1x1x64xf32, #tpu.memory_space<hbm>> -> memref<64xf32, #tpu.memory_space<hbm>>
      tpu.enqueue_dma source(%dma_start3A_319 : memref<64xf32, #tpu.memory_space<hbm>>) target(%dma_start3A_316 : memref<64xf32, #tpu.memory_space<vmem>>) target_semaphore(%arg13 : memref<!tpu.dma_semaphore, #tpu.memory_space<semaphore_mem>>)
      %slice3A_320 = vector.extract_strided_slice %get3A_38 {offsets = [13], sizes = [1], strides = [1]} : vector<16xi32> to vector<1xi32>
      %squeeze3A_321 = vector.extract %slice3A_320[0] : i32 from vector<1xi32>
      %shift_right_arithmetic3A_322 = arith.constant 3 : i32
      %shift_right_arithmetic3A_323 = arith.shrsi %squeeze3A_321, %shift_right_arithmetic3A_322 : i32
      %and3A_324 = arith.constant 7 : i32
      %and3A_325 = arith.andi %squeeze3A_321, %and3A_324 : i32
      %mul3A_326 = arith.constant 16 : i32
      %mul3A_327 = arith.muli %scan3A_34, %mul3A_326 : i32
      %add3A_328 = arith.constant 13 : i32
      %add3A_329 = arith.addi %mul3A_327, %add3A_328 : i32
      %dma_start3A_330 = arith.constant 0 : i32
      %dma_start3A_331 = tpu.memref_slice %arg12[%add3A_329, %dma_start3A_330] : memref<512x64xf32, #tpu.memory_space<vmem>> -> memref<1x64xf32, #tpu.memory_space<vmem>>
      %dma_start3A_332 = tpu.memref_squeeze %dma_start3A_331 : memref<1x64xf32, #tpu.memory_space<vmem>> -> memref<64xf32, #tpu.memory_space<vmem>>
      %dma_start3A_333 = arith.constant 0 : i32
      %dma_start3A_334 = tpu.memref_slice %arg3[%shift_right_arithmetic3A_323, %and3A_325, %dma_start3A_333] : memref<12500x8x64xf32, #tpu.memory_space<hbm>> -> memref<1x1x64xf32, #tpu.memory_space<hbm>>
      %dma_start3A_335 = tpu.memref_squeeze %dma_start3A_334 : memref<1x1x64xf32, #tpu.memory_space<hbm>> -> memref<64xf32, #tpu.memory_space<hbm>>
      %dma_start3A_336 = arith.constant 0 : i32
      %dma_start3A_337 = tpu.memref_slice %arg12[%add3A_329, %dma_start3A_336] : memref<512x64xf32, #tpu.memory_space<vmem>> -> memref<1x64xf32, #tpu.memory_space<vmem>>
      %dma_start3A_338 = tpu.memref_squeeze %dma_start3A_337 : memref<1x64xf32, #tpu.memory_space<vmem>> -> memref<64xf32, #tpu.memory_space<vmem>>
      %dma_start3A_339 = arith.constant 0 : i32
      %dma_start3A_340 = tpu.memref_slice %arg3[%shift_right_arithmetic3A_323, %and3A_325, %dma_start3A_339] : memref<12500x8x64xf32, #tpu.memory_space<hbm>> -> memref<1x1x64xf32, #tpu.memory_space<hbm>>
      %dma_start3A_341 = tpu.memref_squeeze %dma_start3A_340 : memref<1x1x64xf32, #tpu.memory_space<hbm>> -> memref<64xf32, #tpu.memory_space<hbm>>
      tpu.enqueue_dma source(%dma_start3A_341 : memref<64xf32, #tpu.memory_space<hbm>>) target(%dma_start3A_338 : memref<64xf32, #tpu.memory_space<vmem>>) target_semaphore(%arg13 : memref<!tpu.dma_semaphore, #tpu.memory_space<semaphore_mem>>)
      %slice3A_342 = vector.extract_strided_slice %get3A_38 {offsets = [14], sizes = [1], strides = [1]} : vector<16xi32> to vector<1xi32>
      %squeeze3A_343 = vector.extract %slice3A_342[0] : i32 from vector<1xi32>
      %shift_right_arithmetic3A_344 = arith.constant 3 : i32
      %shift_right_arithmetic3A_345 = arith.shrsi %squeeze3A_343, %shift_right_arithmetic3A_344 : i32
      %and3A_346 = arith.constant 7 : i32
      %and3A_347 = arith.andi %squeeze3A_343, %and3A_346 : i32
      %mul3A_348 = arith.constant 16 : i32
      %mul3A_349 = arith.muli %scan3A_34, %mul3A_348 : i32
      %add3A_350 = arith.constant 14 : i32
      %add3A_351 = arith.addi %mul3A_349, %add3A_350 : i32
      %dma_start3A_352 = arith.constant 0 : i32
      %dma_start3A_353 = tpu.memref_slice %arg12[%add3A_351, %dma_start3A_352] : memref<512x64xf32, #tpu.memory_space<vmem>> -> memref<1x64xf32, #tpu.memory_space<vmem>>
      %dma_start3A_354 = tpu.memref_squeeze %dma_start3A_353 : memref<1x64xf32, #tpu.memory_space<vmem>> -> memref<64xf32, #tpu.memory_space<vmem>>
      %dma_start3A_355 = arith.constant 0 : i32
      %dma_start3A_356 = tpu.memref_slice %arg3[%shift_right_arithmetic3A_345, %and3A_347, %dma_start3A_355] : memref<12500x8x64xf32, #tpu.memory_space<hbm>> -> memref<1x1x64xf32, #tpu.memory_space<hbm>>
      %dma_start3A_357 = tpu.memref_squeeze %dma_start3A_356 : memref<1x1x64xf32, #tpu.memory_space<hbm>> -> memref<64xf32, #tpu.memory_space<hbm>>
      %dma_start3A_358 = arith.constant 0 : i32
      %dma_start3A_359 = tpu.memref_slice %arg12[%add3A_351, %dma_start3A_358] : memref<512x64xf32, #tpu.memory_space<vmem>> -> memref<1x64xf32, #tpu.memory_space<vmem>>
      %dma_start3A_360 = tpu.memref_squeeze %dma_start3A_359 : memref<1x64xf32, #tpu.memory_space<vmem>> -> memref<64xf32, #tpu.memory_space<vmem>>
      %dma_start3A_361 = arith.constant 0 : i32
      %dma_start3A_362 = tpu.memref_slice %arg3[%shift_right_arithmetic3A_345, %and3A_347, %dma_start3A_361] : memref<12500x8x64xf32, #tpu.memory_space<hbm>> -> memref<1x1x64xf32, #tpu.memory_space<hbm>>
      %dma_start3A_363 = tpu.memref_squeeze %dma_start3A_362 : memref<1x1x64xf32, #tpu.memory_space<hbm>> -> memref<64xf32, #tpu.memory_space<hbm>>
      tpu.enqueue_dma source(%dma_start3A_363 : memref<64xf32, #tpu.memory_space<hbm>>) target(%dma_start3A_360 : memref<64xf32, #tpu.memory_space<vmem>>) target_semaphore(%arg13 : memref<!tpu.dma_semaphore, #tpu.memory_space<semaphore_mem>>)
      %slice3A_364 = vector.extract_strided_slice %get3A_38 {offsets = [15], sizes = [1], strides = [1]} : vector<16xi32> to vector<1xi32>
      %squeeze3A_365 = vector.extract %slice3A_364[0] : i32 from vector<1xi32>
      %shift_right_arithmetic3A_366 = arith.constant 3 : i32
      %shift_right_arithmetic3A_367 = arith.shrsi %squeeze3A_365, %shift_right_arithmetic3A_366 : i32
      %and3A_368 = arith.constant 7 : i32
      %and3A_369 = arith.andi %squeeze3A_365, %and3A_368 : i32
      %mul3A_370 = arith.constant 16 : i32
      %mul3A_371 = arith.muli %scan3A_34, %mul3A_370 : i32
      %add3A_372 = arith.constant 15 : i32
      %add3A_373 = arith.addi %mul3A_371, %add3A_372 : i32
      %dma_start3A_374 = arith.constant 0 : i32
      %dma_start3A_375 = tpu.memref_slice %arg12[%add3A_373, %dma_start3A_374] : memref<512x64xf32, #tpu.memory_space<vmem>> -> memref<1x64xf32, #tpu.memory_space<vmem>>
      %dma_start3A_376 = tpu.memref_squeeze %dma_start3A_375 : memref<1x64xf32, #tpu.memory_space<vmem>> -> memref<64xf32, #tpu.memory_space<vmem>>
      %dma_start3A_377 = arith.constant 0 : i32
      %dma_start3A_378 = tpu.memref_slice %arg3[%shift_right_arithmetic3A_367, %and3A_369, %dma_start3A_377] : memref<12500x8x64xf32, #tpu.memory_space<hbm>> -> memref<1x1x64xf32, #tpu.memory_space<hbm>>
      %dma_start3A_379 = tpu.memref_squeeze %dma_start3A_378 : memref<1x1x64xf32, #tpu.memory_space<hbm>> -> memref<64xf32, #tpu.memory_space<hbm>>
      %dma_start3A_380 = arith.constant 0 : i32
      %dma_start3A_381 = tpu.memref_slice %arg12[%add3A_373, %dma_start3A_380] : memref<512x64xf32, #tpu.memory_space<vmem>> -> memref<1x64xf32, #tpu.memory_space<vmem>>
      %dma_start3A_382 = tpu.memref_squeeze %dma_start3A_381 : memref<1x64xf32, #tpu.memory_space<vmem>> -> memref<64xf32, #tpu.memory_space<vmem>>
      %dma_start3A_383 = arith.constant 0 : i32
      %dma_start3A_384 = tpu.memref_slice %arg3[%shift_right_arithmetic3A_367, %and3A_369, %dma_start3A_383] : memref<12500x8x64xf32, #tpu.memory_space<hbm>> -> memref<1x1x64xf32, #tpu.memory_space<hbm>>
      %dma_start3A_385 = tpu.memref_squeeze %dma_start3A_384 : memref<1x1x64xf32, #tpu.memory_space<hbm>> -> memref<64xf32, #tpu.memory_space<hbm>>
      tpu.enqueue_dma source(%dma_start3A_385 : memref<64xf32, #tpu.memory_space<hbm>>) target(%dma_start3A_382 : memref<64xf32, #tpu.memory_space<vmem>>) target_semaphore(%arg13 : memref<!tpu.dma_semaphore, #tpu.memory_space<semaphore_mem>>)
      %scan3A_386 = arith.constant 0 : i32
      scf.yield %scan3A_386 : i32
    }
    %scan3A_18 = arith.constant 32 : i32
    %dma_wait3A_19 = arith.constant 0 : i32
    %dma_wait3A_20 = tpu.memref_slice %arg9[%mul3A_2, %dma_wait3A_19] : memref<16384x64xf32, #tpu.memory_space<hbm>> -> memref<512x64xf32, #tpu.memory_space<hbm>>
    %dma_wait3A_21 = arith.constant 0 : i32
    %dma_wait3A_22 = tpu.memref_slice %arg9[%mul3A_2, %dma_wait3A_21] : memref<16384x64xf32, #tpu.memory_space<hbm>> -> memref<512x64xf32, #tpu.memory_space<hbm>>
    tpu.wait_dma2 semaphore(%arg13 : memref<!tpu.dma_semaphore, #tpu.memory_space<semaphore_mem>>) src(%dma_wait3A_22 : memref<512x64xf32, #tpu.memory_space<hbm>>) dst(%arg12 : memref<512x64xf32, #tpu.memory_space<vmem>>)
    "tpu.region"() ({
      %run_scoped3A = tpu.sem_alloc : memref<!tpu.dma_semaphore, #tpu.memory_space<semaphore_mem>>
      %dma_start3A = arith.constant 0 : i32
      %dma_start3A_34 = tpu.memref_slice %arg9[%mul3A_2, %dma_start3A] : memref<16384x64xf32, #tpu.memory_space<hbm>> -> memref<512x64xf32, #tpu.memory_space<hbm>>
      %dma_start3A_35 = arith.constant 0 : i32
      %dma_start3A_36 = tpu.memref_slice %arg9[%mul3A_2, %dma_start3A_35] : memref<16384x64xf32, #tpu.memory_space<hbm>> -> memref<512x64xf32, #tpu.memory_space<hbm>>
      tpu.enqueue_dma source(%arg12 : memref<512x64xf32, #tpu.memory_space<vmem>>) target(%dma_start3A_36 : memref<512x64xf32, #tpu.memory_space<hbm>>) target_semaphore(%run_scoped3A : memref<!tpu.dma_semaphore, #tpu.memory_space<semaphore_mem>>)
      %dma_wait3A_37 = arith.constant 0 : i32
      %dma_wait3A_38 = tpu.memref_slice %arg9[%mul3A_2, %dma_wait3A_37] : memref<16384x64xf32, #tpu.memory_space<hbm>> -> memref<512x64xf32, #tpu.memory_space<hbm>>
      %dma_wait3A_39 = arith.constant 0 : i32
      %dma_wait3A_40 = tpu.memref_slice %arg9[%mul3A_2, %dma_wait3A_39] : memref<16384x64xf32, #tpu.memory_space<hbm>> -> memref<512x64xf32, #tpu.memory_space<hbm>>
      tpu.wait_dma2 semaphore(%run_scoped3A : memref<!tpu.dma_semaphore, #tpu.memory_space<semaphore_mem>>) src(%arg12 : memref<512x64xf32, #tpu.memory_space<vmem>>) dst(%dma_wait3A_40 : memref<512x64xf32, #tpu.memory_space<hbm>>)
      tpu.yield
    }) : () -> ()
    "tpu.region"() ({
      %run_scoped3A = tpu.sem_alloc : memref<!tpu.dma_semaphore, #tpu.memory_space<semaphore_mem>>
      %dma_start3A = tpu.memref_slice %arg7[%mul3A_2] : memref<16384xi32, #tpu.memory_space<hbm>> -> memref<512xi32, #tpu.memory_space<hbm>>
      %dma_start3A_34 = tpu.memref_slice %arg7[%mul3A_2] : memref<16384xi32, #tpu.memory_space<hbm>> -> memref<512xi32, #tpu.memory_space<hbm>>
      tpu.enqueue_dma source(%dma_start3A_34 : memref<512xi32, #tpu.memory_space<hbm>>) target(%arg11 : memref<512xi32, #tpu.memory_space<vmem>>) target_semaphore(%run_scoped3A : memref<!tpu.dma_semaphore, #tpu.memory_space<semaphore_mem>>)
      %dma_wait3A_35 = tpu.memref_slice %arg7[%mul3A_2] : memref<16384xi32, #tpu.memory_space<hbm>> -> memref<512xi32, #tpu.memory_space<hbm>>
      %dma_wait3A_36 = tpu.memref_slice %arg7[%mul3A_2] : memref<16384xi32, #tpu.memory_space<hbm>> -> memref<512xi32, #tpu.memory_space<hbm>>
      tpu.wait_dma2 semaphore(%run_scoped3A : memref<!tpu.dma_semaphore, #tpu.memory_space<semaphore_mem>>) src(%dma_wait3A_36 : memref<512xi32, #tpu.memory_space<hbm>>) dst(%arg11 : memref<512xi32, #tpu.memory_space<vmem>>)
      tpu.yield
    }) : () -> ()
    %scan3A_23 = arith.constant 0 : i32
    %scan3A_24 = arith.constant 0 : i32
    %scan3A_25 = arith.constant 32 : i32
    %scan3A_26 = arith.addi %scan3A_24, %scan3A_25 : i32
    %scan3A_27 = arith.constant 1 : i32
    %scan3A_28 = scf.for %scan3A_34 = %scan3A_24 to %scan3A_26 step %scan3A_27 iter_args(%scan3A_35 = %scan3A_23) -> (i32)  : i32 {
      %mul3A_36 = arith.constant 16 : i32
      %mul3A_37 = arith.muli %scan3A_34, %mul3A_36 : i32
      %get3A = arith.index_cast %mul3A_37 : i32 to index
      %get3A_38 = tpu.vector_load %arg11[%get3A] {strides = array<i32>} : memref<512xi32, #tpu.memory_space<vmem>>, vector<16xi32>,
      %slice3A = vector.extract_strided_slice %get3A_38 {offsets = [0], sizes = [1], strides = [1]} : vector<16xi32> to vector<1xi32>
      %squeeze3A = vector.extract %slice3A[0] : i32 from vector<1xi32>
      %shift_right_arithmetic3A = arith.constant 3 : i32
      %shift_right_arithmetic3A_39 = arith.shrsi %squeeze3A, %shift_right_arithmetic3A : i32
      %and3A = arith.constant 7 : i32
      %and3A_40 = arith.andi %squeeze3A, %and3A : i32
      %mul3A_41 = arith.constant 16 : i32
      %mul3A_42 = arith.muli %scan3A_34, %mul3A_41 : i32
      %add3A_43 = arith.constant 0 : i32
      %add3A_44 = arith.addi %mul3A_42, %add3A_43 : i32
      %dma_start3A = arith.constant 0 : i32
      %dma_start3A_45 = tpu.memref_slice %arg12[%add3A_44, %dma_start3A] : memref<512x64xf32, #tpu.memory_space<vmem>> -> memref<1x64xf32, #tpu.memory_space<vmem>>
      %dma_start3A_46 = tpu.memref_squeeze %dma_start3A_45 : memref<1x64xf32, #tpu.memory_space<vmem>> -> memref<64xf32, #tpu.memory_space<vmem>>
      %dma_start3A_47 = arith.constant 0 : i32
      %dma_start3A_48 = tpu.memref_slice %arg4[%shift_right_arithmetic3A_39, %and3A_40, %dma_start3A_47] : memref<125x8x64xf32, #tpu.memory_space<hbm>> -> memref<1x1x64xf32, #tpu.memory_space<hbm>>
      %dma_start3A_49 = tpu.memref_squeeze %dma_start3A_48 : memref<1x1x64xf32, #tpu.memory_space<hbm>> -> memref<64xf32, #tpu.memory_space<hbm>>
      %dma_start3A_50 = arith.constant 0 : i32
      %dma_start3A_51 = tpu.memref_slice %arg12[%add3A_44, %dma_start3A_50] : memref<512x64xf32, #tpu.memory_space<vmem>> -> memref<1x64xf32, #tpu.memory_space<vmem>>
      %dma_start3A_52 = tpu.memref_squeeze %dma_start3A_51 : memref<1x64xf32, #tpu.memory_space<vmem>> -> memref<64xf32, #tpu.memory_space<vmem>>
      %dma_start3A_53 = arith.constant 0 : i32
      %dma_start3A_54 = tpu.memref_slice %arg4[%shift_right_arithmetic3A_39, %and3A_40, %dma_start3A_53] : memref<125x8x64xf32, #tpu.memory_space<hbm>> -> memref<1x1x64xf32, #tpu.memory_space<hbm>>
      %dma_start3A_55 = tpu.memref_squeeze %dma_start3A_54 : memref<1x1x64xf32, #tpu.memory_space<hbm>> -> memref<64xf32, #tpu.memory_space<hbm>>
      tpu.enqueue_dma source(%dma_start3A_55 : memref<64xf32, #tpu.memory_space<hbm>>) target(%dma_start3A_52 : memref<64xf32, #tpu.memory_space<vmem>>) target_semaphore(%arg13 : memref<!tpu.dma_semaphore, #tpu.memory_space<semaphore_mem>>)
      %slice3A_56 = vector.extract_strided_slice %get3A_38 {offsets = [1], sizes = [1], strides = [1]} : vector<16xi32> to vector<1xi32>
      %squeeze3A_57 = vector.extract %slice3A_56[0] : i32 from vector<1xi32>
      %shift_right_arithmetic3A_58 = arith.constant 3 : i32
      %shift_right_arithmetic3A_59 = arith.shrsi %squeeze3A_57, %shift_right_arithmetic3A_58 : i32
      %and3A_60 = arith.constant 7 : i32
      %and3A_61 = arith.andi %squeeze3A_57, %and3A_60 : i32
      %mul3A_62 = arith.constant 16 : i32
      %mul3A_63 = arith.muli %scan3A_34, %mul3A_62 : i32
      %add3A_64 = arith.constant 1 : i32
      %add3A_65 = arith.addi %mul3A_63, %add3A_64 : i32
      %dma_start3A_66 = arith.constant 0 : i32
      %dma_start3A_67 = tpu.memref_slice %arg12[%add3A_65, %dma_start3A_66] : memref<512x64xf32, #tpu.memory_space<vmem>> -> memref<1x64xf32, #tpu.memory_space<vmem>>
      %dma_start3A_68 = tpu.memref_squeeze %dma_start3A_67 : memref<1x64xf32, #tpu.memory_space<vmem>> -> memref<64xf32, #tpu.memory_space<vmem>>
      %dma_start3A_69 = arith.constant 0 : i32
      %dma_start3A_70 = tpu.memref_slice %arg4[%shift_right_arithmetic3A_59, %and3A_61, %dma_start3A_69] : memref<125x8x64xf32, #tpu.memory_space<hbm>> -> memref<1x1x64xf32, #tpu.memory_space<hbm>>
      %dma_start3A_71 = tpu.memref_squeeze %dma_start3A_70 : memref<1x1x64xf32, #tpu.memory_space<hbm>> -> memref<64xf32, #tpu.memory_space<hbm>>
      %dma_start3A_72 = arith.constant 0 : i32
      %dma_start3A_73 = tpu.memref_slice %arg12[%add3A_65, %dma_start3A_72] : memref<512x64xf32, #tpu.memory_space<vmem>> -> memref<1x64xf32, #tpu.memory_space<vmem>>
      %dma_start3A_74 = tpu.memref_squeeze %dma_start3A_73 : memref<1x64xf32, #tpu.memory_space<vmem>> -> memref<64xf32, #tpu.memory_space<vmem>>
      %dma_start3A_75 = arith.constant 0 : i32
      %dma_start3A_76 = tpu.memref_slice %arg4[%shift_right_arithmetic3A_59, %and3A_61, %dma_start3A_75] : memref<125x8x64xf32, #tpu.memory_space<hbm>> -> memref<1x1x64xf32, #tpu.memory_space<hbm>>
      %dma_start3A_77 = tpu.memref_squeeze %dma_start3A_76 : memref<1x1x64xf32, #tpu.memory_space<hbm>> -> memref<64xf32, #tpu.memory_space<hbm>>
      tpu.enqueue_dma source(%dma_start3A_77 : memref<64xf32, #tpu.memory_space<hbm>>) target(%dma_start3A_74 : memref<64xf32, #tpu.memory_space<vmem>>) target_semaphore(%arg13 : memref<!tpu.dma_semaphore, #tpu.memory_space<semaphore_mem>>)
      %slice3A_78 = vector.extract_strided_slice %get3A_38 {offsets = [2], sizes = [1], strides = [1]} : vector<16xi32> to vector<1xi32>
      %squeeze3A_79 = vector.extract %slice3A_78[0] : i32 from vector<1xi32>
      %shift_right_arithmetic3A_80 = arith.constant 3 : i32
      %shift_right_arithmetic3A_81 = arith.shrsi %squeeze3A_79, %shift_right_arithmetic3A_80 : i32
      %and3A_82 = arith.constant 7 : i32
      %and3A_83 = arith.andi %squeeze3A_79, %and3A_82 : i32
      %mul3A_84 = arith.constant 16 : i32
      %mul3A_85 = arith.muli %scan3A_34, %mul3A_84 : i32
      %add3A_86 = arith.constant 2 : i32
      %add3A_87 = arith.addi %mul3A_85, %add3A_86 : i32
      %dma_start3A_88 = arith.constant 0 : i32
      %dma_start3A_89 = tpu.memref_slice %arg12[%add3A_87, %dma_start3A_88] : memref<512x64xf32, #tpu.memory_space<vmem>> -> memref<1x64xf32, #tpu.memory_space<vmem>>
      %dma_start3A_90 = tpu.memref_squeeze %dma_start3A_89 : memref<1x64xf32, #tpu.memory_space<vmem>> -> memref<64xf32, #tpu.memory_space<vmem>>
      %dma_start3A_91 = arith.constant 0 : i32
      %dma_start3A_92 = tpu.memref_slice %arg4[%shift_right_arithmetic3A_81, %and3A_83, %dma_start3A_91] : memref<125x8x64xf32, #tpu.memory_space<hbm>> -> memref<1x1x64xf32, #tpu.memory_space<hbm>>
      %dma_start3A_93 = tpu.memref_squeeze %dma_start3A_92 : memref<1x1x64xf32, #tpu.memory_space<hbm>> -> memref<64xf32, #tpu.memory_space<hbm>>
      %dma_start3A_94 = arith.constant 0 : i32
      %dma_start3A_95 = tpu.memref_slice %arg12[%add3A_87, %dma_start3A_94] : memref<512x64xf32, #tpu.memory_space<vmem>> -> memref<1x64xf32, #tpu.memory_space<vmem>>
      %dma_start3A_96 = tpu.memref_squeeze %dma_start3A_95 : memref<1x64xf32, #tpu.memory_space<vmem>> -> memref<64xf32, #tpu.memory_space<vmem>>
      %dma_start3A_97 = arith.constant 0 : i32
      %dma_start3A_98 = tpu.memref_slice %arg4[%shift_right_arithmetic3A_81, %and3A_83, %dma_start3A_97] : memref<125x8x64xf32, #tpu.memory_space<hbm>> -> memref<1x1x64xf32, #tpu.memory_space<hbm>>
      %dma_start3A_99 = tpu.memref_squeeze %dma_start3A_98 : memref<1x1x64xf32, #tpu.memory_space<hbm>> -> memref<64xf32, #tpu.memory_space<hbm>>
      tpu.enqueue_dma source(%dma_start3A_99 : memref<64xf32, #tpu.memory_space<hbm>>) target(%dma_start3A_96 : memref<64xf32, #tpu.memory_space<vmem>>) target_semaphore(%arg13 : memref<!tpu.dma_semaphore, #tpu.memory_space<semaphore_mem>>)
      %slice3A_100 = vector.extract_strided_slice %get3A_38 {offsets = [3], sizes = [1], strides = [1]} : vector<16xi32> to vector<1xi32>
      %squeeze3A_101 = vector.extract %slice3A_100[0] : i32 from vector<1xi32>
      %shift_right_arithmetic3A_102 = arith.constant 3 : i32
      %shift_right_arithmetic3A_103 = arith.shrsi %squeeze3A_101, %shift_right_arithmetic3A_102 : i32
      %and3A_104 = arith.constant 7 : i32
      %and3A_105 = arith.andi %squeeze3A_101, %and3A_104 : i32
      %mul3A_106 = arith.constant 16 : i32
      %mul3A_107 = arith.muli %scan3A_34, %mul3A_106 : i32
      %add3A_108 = arith.constant 3 : i32
      %add3A_109 = arith.addi %mul3A_107, %add3A_108 : i32
      %dma_start3A_110 = arith.constant 0 : i32
      %dma_start3A_111 = tpu.memref_slice %arg12[%add3A_109, %dma_start3A_110] : memref<512x64xf32, #tpu.memory_space<vmem>> -> memref<1x64xf32, #tpu.memory_space<vmem>>
      %dma_start3A_112 = tpu.memref_squeeze %dma_start3A_111 : memref<1x64xf32, #tpu.memory_space<vmem>> -> memref<64xf32, #tpu.memory_space<vmem>>
      %dma_start3A_113 = arith.constant 0 : i32
      %dma_start3A_114 = tpu.memref_slice %arg4[%shift_right_arithmetic3A_103, %and3A_105, %dma_start3A_113] : memref<125x8x64xf32, #tpu.memory_space<hbm>> -> memref<1x1x64xf32, #tpu.memory_space<hbm>>
      %dma_start3A_115 = tpu.memref_squeeze %dma_start3A_114 : memref<1x1x64xf32, #tpu.memory_space<hbm>> -> memref<64xf32, #tpu.memory_space<hbm>>
      %dma_start3A_116 = arith.constant 0 : i32
      %dma_start3A_117 = tpu.memref_slice %arg12[%add3A_109, %dma_start3A_116] : memref<512x64xf32, #tpu.memory_space<vmem>> -> memref<1x64xf32, #tpu.memory_space<vmem>>
      %dma_start3A_118 = tpu.memref_squeeze %dma_start3A_117 : memref<1x64xf32, #tpu.memory_space<vmem>> -> memref<64xf32, #tpu.memory_space<vmem>>
      %dma_start3A_119 = arith.constant 0 : i32
      %dma_start3A_120 = tpu.memref_slice %arg4[%shift_right_arithmetic3A_103, %and3A_105, %dma_start3A_119] : memref<125x8x64xf32, #tpu.memory_space<hbm>> -> memref<1x1x64xf32, #tpu.memory_space<hbm>>
      %dma_start3A_121 = tpu.memref_squeeze %dma_start3A_120 : memref<1x1x64xf32, #tpu.memory_space<hbm>> -> memref<64xf32, #tpu.memory_space<hbm>>
      tpu.enqueue_dma source(%dma_start3A_121 : memref<64xf32, #tpu.memory_space<hbm>>) target(%dma_start3A_118 : memref<64xf32, #tpu.memory_space<vmem>>) target_semaphore(%arg13 : memref<!tpu.dma_semaphore, #tpu.memory_space<semaphore_mem>>)
      %slice3A_122 = vector.extract_strided_slice %get3A_38 {offsets = [4], sizes = [1], strides = [1]} : vector<16xi32> to vector<1xi32>
      %squeeze3A_123 = vector.extract %slice3A_122[0] : i32 from vector<1xi32>
      %shift_right_arithmetic3A_124 = arith.constant 3 : i32
      %shift_right_arithmetic3A_125 = arith.shrsi %squeeze3A_123, %shift_right_arithmetic3A_124 : i32
      %and3A_126 = arith.constant 7 : i32
      %and3A_127 = arith.andi %squeeze3A_123, %and3A_126 : i32
      %mul3A_128 = arith.constant 16 : i32
      %mul3A_129 = arith.muli %scan3A_34, %mul3A_128 : i32
      %add3A_130 = arith.constant 4 : i32
      %add3A_131 = arith.addi %mul3A_129, %add3A_130 : i32
      %dma_start3A_132 = arith.constant 0 : i32
      %dma_start3A_133 = tpu.memref_slice %arg12[%add3A_131, %dma_start3A_132] : memref<512x64xf32, #tpu.memory_space<vmem>> -> memref<1x64xf32, #tpu.memory_space<vmem>>
      %dma_start3A_134 = tpu.memref_squeeze %dma_start3A_133 : memref<1x64xf32, #tpu.memory_space<vmem>> -> memref<64xf32, #tpu.memory_space<vmem>>
      %dma_start3A_135 = arith.constant 0 : i32
      %dma_start3A_136 = tpu.memref_slice %arg4[%shift_right_arithmetic3A_125, %and3A_127, %dma_start3A_135] : memref<125x8x64xf32, #tpu.memory_space<hbm>> -> memref<1x1x64xf32, #tpu.memory_space<hbm>>
      %dma_start3A_137 = tpu.memref_squeeze %dma_start3A_136 : memref<1x1x64xf32, #tpu.memory_space<hbm>> -> memref<64xf32, #tpu.memory_space<hbm>>
      %dma_start3A_138 = arith.constant 0 : i32
      %dma_start3A_139 = tpu.memref_slice %arg12[%add3A_131, %dma_start3A_138] : memref<512x64xf32, #tpu.memory_space<vmem>> -> memref<1x64xf32, #tpu.memory_space<vmem>>
      %dma_start3A_140 = tpu.memref_squeeze %dma_start3A_139 : memref<1x64xf32, #tpu.memory_space<vmem>> -> memref<64xf32, #tpu.memory_space<vmem>>
      %dma_start3A_141 = arith.constant 0 : i32
      %dma_start3A_142 = tpu.memref_slice %arg4[%shift_right_arithmetic3A_125, %and3A_127, %dma_start3A_141] : memref<125x8x64xf32, #tpu.memory_space<hbm>> -> memref<1x1x64xf32, #tpu.memory_space<hbm>>
      %dma_start3A_143 = tpu.memref_squeeze %dma_start3A_142 : memref<1x1x64xf32, #tpu.memory_space<hbm>> -> memref<64xf32, #tpu.memory_space<hbm>>
      tpu.enqueue_dma source(%dma_start3A_143 : memref<64xf32, #tpu.memory_space<hbm>>) target(%dma_start3A_140 : memref<64xf32, #tpu.memory_space<vmem>>) target_semaphore(%arg13 : memref<!tpu.dma_semaphore, #tpu.memory_space<semaphore_mem>>)
      %slice3A_144 = vector.extract_strided_slice %get3A_38 {offsets = [5], sizes = [1], strides = [1]} : vector<16xi32> to vector<1xi32>
      %squeeze3A_145 = vector.extract %slice3A_144[0] : i32 from vector<1xi32>
      %shift_right_arithmetic3A_146 = arith.constant 3 : i32
      %shift_right_arithmetic3A_147 = arith.shrsi %squeeze3A_145, %shift_right_arithmetic3A_146 : i32
      %and3A_148 = arith.constant 7 : i32
      %and3A_149 = arith.andi %squeeze3A_145, %and3A_148 : i32
      %mul3A_150 = arith.constant 16 : i32
      %mul3A_151 = arith.muli %scan3A_34, %mul3A_150 : i32
      %add3A_152 = arith.constant 5 : i32
      %add3A_153 = arith.addi %mul3A_151, %add3A_152 : i32
      %dma_start3A_154 = arith.constant 0 : i32
      %dma_start3A_155 = tpu.memref_slice %arg12[%add3A_153, %dma_start3A_154] : memref<512x64xf32, #tpu.memory_space<vmem>> -> memref<1x64xf32, #tpu.memory_space<vmem>>
      %dma_start3A_156 = tpu.memref_squeeze %dma_start3A_155 : memref<1x64xf32, #tpu.memory_space<vmem>> -> memref<64xf32, #tpu.memory_space<vmem>>
      %dma_start3A_157 = arith.constant 0 : i32
      %dma_start3A_158 = tpu.memref_slice %arg4[%shift_right_arithmetic3A_147, %and3A_149, %dma_start3A_157] : memref<125x8x64xf32, #tpu.memory_space<hbm>> -> memref<1x1x64xf32, #tpu.memory_space<hbm>>
      %dma_start3A_159 = tpu.memref_squeeze %dma_start3A_158 : memref<1x1x64xf32, #tpu.memory_space<hbm>> -> memref<64xf32, #tpu.memory_space<hbm>>
      %dma_start3A_160 = arith.constant 0 : i32
      %dma_start3A_161 = tpu.memref_slice %arg12[%add3A_153, %dma_start3A_160] : memref<512x64xf32, #tpu.memory_space<vmem>> -> memref<1x64xf32, #tpu.memory_space<vmem>>
      %dma_start3A_162 = tpu.memref_squeeze %dma_start3A_161 : memref<1x64xf32, #tpu.memory_space<vmem>> -> memref<64xf32, #tpu.memory_space<vmem>>
      %dma_start3A_163 = arith.constant 0 : i32
      %dma_start3A_164 = tpu.memref_slice %arg4[%shift_right_arithmetic3A_147, %and3A_149, %dma_start3A_163] : memref<125x8x64xf32, #tpu.memory_space<hbm>> -> memref<1x1x64xf32, #tpu.memory_space<hbm>>
      %dma_start3A_165 = tpu.memref_squeeze %dma_start3A_164 : memref<1x1x64xf32, #tpu.memory_space<hbm>> -> memref<64xf32, #tpu.memory_space<hbm>>
      tpu.enqueue_dma source(%dma_start3A_165 : memref<64xf32, #tpu.memory_space<hbm>>) target(%dma_start3A_162 : memref<64xf32, #tpu.memory_space<vmem>>) target_semaphore(%arg13 : memref<!tpu.dma_semaphore, #tpu.memory_space<semaphore_mem>>)
      %slice3A_166 = vector.extract_strided_slice %get3A_38 {offsets = [6], sizes = [1], strides = [1]} : vector<16xi32> to vector<1xi32>
      %squeeze3A_167 = vector.extract %slice3A_166[0] : i32 from vector<1xi32>
      %shift_right_arithmetic3A_168 = arith.constant 3 : i32
      %shift_right_arithmetic3A_169 = arith.shrsi %squeeze3A_167, %shift_right_arithmetic3A_168 : i32
      %and3A_170 = arith.constant 7 : i32
      %and3A_171 = arith.andi %squeeze3A_167, %and3A_170 : i32
      %mul3A_172 = arith.constant 16 : i32
      %mul3A_173 = arith.muli %scan3A_34, %mul3A_172 : i32
      %add3A_174 = arith.constant 6 : i32
      %add3A_175 = arith.addi %mul3A_173, %add3A_174 : i32
      %dma_start3A_176 = arith.constant 0 : i32
      %dma_start3A_177 = tpu.memref_slice %arg12[%add3A_175, %dma_start3A_176] : memref<512x64xf32, #tpu.memory_space<vmem>> -> memref<1x64xf32, #tpu.memory_space<vmem>>
      %dma_start3A_178 = tpu.memref_squeeze %dma_start3A_177 : memref<1x64xf32, #tpu.memory_space<vmem>> -> memref<64xf32, #tpu.memory_space<vmem>>
      %dma_start3A_179 = arith.constant 0 : i32
      %dma_start3A_180 = tpu.memref_slice %arg4[%shift_right_arithmetic3A_169, %and3A_171, %dma_start3A_179] : memref<125x8x64xf32, #tpu.memory_space<hbm>> -> memref<1x1x64xf32, #tpu.memory_space<hbm>>
      %dma_start3A_181 = tpu.memref_squeeze %dma_start3A_180 : memref<1x1x64xf32, #tpu.memory_space<hbm>> -> memref<64xf32, #tpu.memory_space<hbm>>
      %dma_start3A_182 = arith.constant 0 : i32
      %dma_start3A_183 = tpu.memref_slice %arg12[%add3A_175, %dma_start3A_182] : memref<512x64xf32, #tpu.memory_space<vmem>> -> memref<1x64xf32, #tpu.memory_space<vmem>>
      %dma_start3A_184 = tpu.memref_squeeze %dma_start3A_183 : memref<1x64xf32, #tpu.memory_space<vmem>> -> memref<64xf32, #tpu.memory_space<vmem>>
      %dma_start3A_185 = arith.constant 0 : i32
      %dma_start3A_186 = tpu.memref_slice %arg4[%shift_right_arithmetic3A_169, %and3A_171, %dma_start3A_185] : memref<125x8x64xf32, #tpu.memory_space<hbm>> -> memref<1x1x64xf32, #tpu.memory_space<hbm>>
      %dma_start3A_187 = tpu.memref_squeeze %dma_start3A_186 : memref<1x1x64xf32, #tpu.memory_space<hbm>> -> memref<64xf32, #tpu.memory_space<hbm>>
      tpu.enqueue_dma source(%dma_start3A_187 : memref<64xf32, #tpu.memory_space<hbm>>) target(%dma_start3A_184 : memref<64xf32, #tpu.memory_space<vmem>>) target_semaphore(%arg13 : memref<!tpu.dma_semaphore, #tpu.memory_space<semaphore_mem>>)
      %slice3A_188 = vector.extract_strided_slice %get3A_38 {offsets = [7], sizes = [1], strides = [1]} : vector<16xi32> to vector<1xi32>
      %squeeze3A_189 = vector.extract %slice3A_188[0] : i32 from vector<1xi32>
      %shift_right_arithmetic3A_190 = arith.constant 3 : i32
      %shift_right_arithmetic3A_191 = arith.shrsi %squeeze3A_189, %shift_right_arithmetic3A_190 : i32
      %and3A_192 = arith.constant 7 : i32
      %and3A_193 = arith.andi %squeeze3A_189, %and3A_192 : i32
      %mul3A_194 = arith.constant 16 : i32
      %mul3A_195 = arith.muli %scan3A_34, %mul3A_194 : i32
      %add3A_196 = arith.constant 7 : i32
      %add3A_197 = arith.addi %mul3A_195, %add3A_196 : i32
      %dma_start3A_198 = arith.constant 0 : i32
      %dma_start3A_199 = tpu.memref_slice %arg12[%add3A_197, %dma_start3A_198] : memref<512x64xf32, #tpu.memory_space<vmem>> -> memref<1x64xf32, #tpu.memory_space<vmem>>
      %dma_start3A_200 = tpu.memref_squeeze %dma_start3A_199 : memref<1x64xf32, #tpu.memory_space<vmem>> -> memref<64xf32, #tpu.memory_space<vmem>>
      %dma_start3A_201 = arith.constant 0 : i32
      %dma_start3A_202 = tpu.memref_slice %arg4[%shift_right_arithmetic3A_191, %and3A_193, %dma_start3A_201] : memref<125x8x64xf32, #tpu.memory_space<hbm>> -> memref<1x1x64xf32, #tpu.memory_space<hbm>>
      %dma_start3A_203 = tpu.memref_squeeze %dma_start3A_202 : memref<1x1x64xf32, #tpu.memory_space<hbm>> -> memref<64xf32, #tpu.memory_space<hbm>>
      %dma_start3A_204 = arith.constant 0 : i32
      %dma_start3A_205 = tpu.memref_slice %arg12[%add3A_197, %dma_start3A_204] : memref<512x64xf32, #tpu.memory_space<vmem>> -> memref<1x64xf32, #tpu.memory_space<vmem>>
      %dma_start3A_206 = tpu.memref_squeeze %dma_start3A_205 : memref<1x64xf32, #tpu.memory_space<vmem>> -> memref<64xf32, #tpu.memory_space<vmem>>
      %dma_start3A_207 = arith.constant 0 : i32
      %dma_start3A_208 = tpu.memref_slice %arg4[%shift_right_arithmetic3A_191, %and3A_193, %dma_start3A_207] : memref<125x8x64xf32, #tpu.memory_space<hbm>> -> memref<1x1x64xf32, #tpu.memory_space<hbm>>
      %dma_start3A_209 = tpu.memref_squeeze %dma_start3A_208 : memref<1x1x64xf32, #tpu.memory_space<hbm>> -> memref<64xf32, #tpu.memory_space<hbm>>
      tpu.enqueue_dma source(%dma_start3A_209 : memref<64xf32, #tpu.memory_space<hbm>>) target(%dma_start3A_206 : memref<64xf32, #tpu.memory_space<vmem>>) target_semaphore(%arg13 : memref<!tpu.dma_semaphore, #tpu.memory_space<semaphore_mem>>)
      %slice3A_210 = vector.extract_strided_slice %get3A_38 {offsets = [8], sizes = [1], strides = [1]} : vector<16xi32> to vector<1xi32>
      %squeeze3A_211 = vector.extract %slice3A_210[0] : i32 from vector<1xi32>
      %shift_right_arithmetic3A_212 = arith.constant 3 : i32
      %shift_right_arithmetic3A_213 = arith.shrsi %squeeze3A_211, %shift_right_arithmetic3A_212 : i32
      %and3A_214 = arith.constant 7 : i32
      %and3A_215 = arith.andi %squeeze3A_211, %and3A_214 : i32
      %mul3A_216 = arith.constant 16 : i32
      %mul3A_217 = arith.muli %scan3A_34, %mul3A_216 : i32
      %add3A_218 = arith.constant 8 : i32
      %add3A_219 = arith.addi %mul3A_217, %add3A_218 : i32
      %dma_start3A_220 = arith.constant 0 : i32
      %dma_start3A_221 = tpu.memref_slice %arg12[%add3A_219, %dma_start3A_220] : memref<512x64xf32, #tpu.memory_space<vmem>> -> memref<1x64xf32, #tpu.memory_space<vmem>>
      %dma_start3A_222 = tpu.memref_squeeze %dma_start3A_221 : memref<1x64xf32, #tpu.memory_space<vmem>> -> memref<64xf32, #tpu.memory_space<vmem>>
      %dma_start3A_223 = arith.constant 0 : i32
      %dma_start3A_224 = tpu.memref_slice %arg4[%shift_right_arithmetic3A_213, %and3A_215, %dma_start3A_223] : memref<125x8x64xf32, #tpu.memory_space<hbm>> -> memref<1x1x64xf32, #tpu.memory_space<hbm>>
      %dma_start3A_225 = tpu.memref_squeeze %dma_start3A_224 : memref<1x1x64xf32, #tpu.memory_space<hbm>> -> memref<64xf32, #tpu.memory_space<hbm>>
      %dma_start3A_226 = arith.constant 0 : i32
      %dma_start3A_227 = tpu.memref_slice %arg12[%add3A_219, %dma_start3A_226] : memref<512x64xf32, #tpu.memory_space<vmem>> -> memref<1x64xf32, #tpu.memory_space<vmem>>
      %dma_start3A_228 = tpu.memref_squeeze %dma_start3A_227 : memref<1x64xf32, #tpu.memory_space<vmem>> -> memref<64xf32, #tpu.memory_space<vmem>>
      %dma_start3A_229 = arith.constant 0 : i32
      %dma_start3A_230 = tpu.memref_slice %arg4[%shift_right_arithmetic3A_213, %and3A_215, %dma_start3A_229] : memref<125x8x64xf32, #tpu.memory_space<hbm>> -> memref<1x1x64xf32, #tpu.memory_space<hbm>>
      %dma_start3A_231 = tpu.memref_squeeze %dma_start3A_230 : memref<1x1x64xf32, #tpu.memory_space<hbm>> -> memref<64xf32, #tpu.memory_space<hbm>>
      tpu.enqueue_dma source(%dma_start3A_231 : memref<64xf32, #tpu.memory_space<hbm>>) target(%dma_start3A_228 : memref<64xf32, #tpu.memory_space<vmem>>) target_semaphore(%arg13 : memref<!tpu.dma_semaphore, #tpu.memory_space<semaphore_mem>>)
      %slice3A_232 = vector.extract_strided_slice %get3A_38 {offsets = [9], sizes = [1], strides = [1]} : vector<16xi32> to vector<1xi32>
      %squeeze3A_233 = vector.extract %slice3A_232[0] : i32 from vector<1xi32>
      %shift_right_arithmetic3A_234 = arith.constant 3 : i32
      %shift_right_arithmetic3A_235 = arith.shrsi %squeeze3A_233, %shift_right_arithmetic3A_234 : i32
      %and3A_236 = arith.constant 7 : i32
      %and3A_237 = arith.andi %squeeze3A_233, %and3A_236 : i32
      %mul3A_238 = arith.constant 16 : i32
      %mul3A_239 = arith.muli %scan3A_34, %mul3A_238 : i32
      %add3A_240 = arith.constant 9 : i32
      %add3A_241 = arith.addi %mul3A_239, %add3A_240 : i32
      %dma_start3A_242 = arith.constant 0 : i32
      %dma_start3A_243 = tpu.memref_slice %arg12[%add3A_241, %dma_start3A_242] : memref<512x64xf32, #tpu.memory_space<vmem>> -> memref<1x64xf32, #tpu.memory_space<vmem>>
      %dma_start3A_244 = tpu.memref_squeeze %dma_start3A_243 : memref<1x64xf32, #tpu.memory_space<vmem>> -> memref<64xf32, #tpu.memory_space<vmem>>
      %dma_start3A_245 = arith.constant 0 : i32
      %dma_start3A_246 = tpu.memref_slice %arg4[%shift_right_arithmetic3A_235, %and3A_237, %dma_start3A_245] : memref<125x8x64xf32, #tpu.memory_space<hbm>> -> memref<1x1x64xf32, #tpu.memory_space<hbm>>
      %dma_start3A_247 = tpu.memref_squeeze %dma_start3A_246 : memref<1x1x64xf32, #tpu.memory_space<hbm>> -> memref<64xf32, #tpu.memory_space<hbm>>
      %dma_start3A_248 = arith.constant 0 : i32
      %dma_start3A_249 = tpu.memref_slice %arg12[%add3A_241, %dma_start3A_248] : memref<512x64xf32, #tpu.memory_space<vmem>> -> memref<1x64xf32, #tpu.memory_space<vmem>>
      %dma_start3A_250 = tpu.memref_squeeze %dma_start3A_249 : memref<1x64xf32, #tpu.memory_space<vmem>> -> memref<64xf32, #tpu.memory_space<vmem>>
      %dma_start3A_251 = arith.constant 0 : i32
      %dma_start3A_252 = tpu.memref_slice %arg4[%shift_right_arithmetic3A_235, %and3A_237, %dma_start3A_251] : memref<125x8x64xf32, #tpu.memory_space<hbm>> -> memref<1x1x64xf32, #tpu.memory_space<hbm>>
      %dma_start3A_253 = tpu.memref_squeeze %dma_start3A_252 : memref<1x1x64xf32, #tpu.memory_space<hbm>> -> memref<64xf32, #tpu.memory_space<hbm>>
      tpu.enqueue_dma source(%dma_start3A_253 : memref<64xf32, #tpu.memory_space<hbm>>) target(%dma_start3A_250 : memref<64xf32, #tpu.memory_space<vmem>>) target_semaphore(%arg13 : memref<!tpu.dma_semaphore, #tpu.memory_space<semaphore_mem>>)
      %slice3A_254 = vector.extract_strided_slice %get3A_38 {offsets = [10], sizes = [1], strides = [1]} : vector<16xi32> to vector<1xi32>
      %squeeze3A_255 = vector.extract %slice3A_254[0] : i32 from vector<1xi32>
      %shift_right_arithmetic3A_256 = arith.constant 3 : i32
      %shift_right_arithmetic3A_257 = arith.shrsi %squeeze3A_255, %shift_right_arithmetic3A_256 : i32
      %and3A_258 = arith.constant 7 : i32
      %and3A_259 = arith.andi %squeeze3A_255, %and3A_258 : i32
      %mul3A_260 = arith.constant 16 : i32
      %mul3A_261 = arith.muli %scan3A_34, %mul3A_260 : i32
      %add3A_262 = arith.constant 10 : i32
      %add3A_263 = arith.addi %mul3A_261, %add3A_262 : i32
      %dma_start3A_264 = arith.constant 0 : i32
      %dma_start3A_265 = tpu.memref_slice %arg12[%add3A_263, %dma_start3A_264] : memref<512x64xf32, #tpu.memory_space<vmem>> -> memref<1x64xf32, #tpu.memory_space<vmem>>
      %dma_start3A_266 = tpu.memref_squeeze %dma_start3A_265 : memref<1x64xf32, #tpu.memory_space<vmem>> -> memref<64xf32, #tpu.memory_space<vmem>>
      %dma_start3A_267 = arith.constant 0 : i32
      %dma_start3A_268 = tpu.memref_slice %arg4[%shift_right_arithmetic3A_257, %and3A_259, %dma_start3A_267] : memref<125x8x64xf32, #tpu.memory_space<hbm>> -> memref<1x1x64xf32, #tpu.memory_space<hbm>>
      %dma_start3A_269 = tpu.memref_squeeze %dma_start3A_268 : memref<1x1x64xf32, #tpu.memory_space<hbm>> -> memref<64xf32, #tpu.memory_space<hbm>>
      %dma_start3A_270 = arith.constant 0 : i32
      %dma_start3A_271 = tpu.memref_slice %arg12[%add3A_263, %dma_start3A_270] : memref<512x64xf32, #tpu.memory_space<vmem>> -> memref<1x64xf32, #tpu.memory_space<vmem>>
      %dma_start3A_272 = tpu.memref_squeeze %dma_start3A_271 : memref<1x64xf32, #tpu.memory_space<vmem>> -> memref<64xf32, #tpu.memory_space<vmem>>
      %dma_start3A_273 = arith.constant 0 : i32
      %dma_start3A_274 = tpu.memref_slice %arg4[%shift_right_arithmetic3A_257, %and3A_259, %dma_start3A_273] : memref<125x8x64xf32, #tpu.memory_space<hbm>> -> memref<1x1x64xf32, #tpu.memory_space<hbm>>
      %dma_start3A_275 = tpu.memref_squeeze %dma_start3A_274 : memref<1x1x64xf32, #tpu.memory_space<hbm>> -> memref<64xf32, #tpu.memory_space<hbm>>
      tpu.enqueue_dma source(%dma_start3A_275 : memref<64xf32, #tpu.memory_space<hbm>>) target(%dma_start3A_272 : memref<64xf32, #tpu.memory_space<vmem>>) target_semaphore(%arg13 : memref<!tpu.dma_semaphore, #tpu.memory_space<semaphore_mem>>)
      %slice3A_276 = vector.extract_strided_slice %get3A_38 {offsets = [11], sizes = [1], strides = [1]} : vector<16xi32> to vector<1xi32>
      %squeeze3A_277 = vector.extract %slice3A_276[0] : i32 from vector<1xi32>
      %shift_right_arithmetic3A_278 = arith.constant 3 : i32
      %shift_right_arithmetic3A_279 = arith.shrsi %squeeze3A_277, %shift_right_arithmetic3A_278 : i32
      %and3A_280 = arith.constant 7 : i32
      %and3A_281 = arith.andi %squeeze3A_277, %and3A_280 : i32
      %mul3A_282 = arith.constant 16 : i32
      %mul3A_283 = arith.muli %scan3A_34, %mul3A_282 : i32
      %add3A_284 = arith.constant 11 : i32
      %add3A_285 = arith.addi %mul3A_283, %add3A_284 : i32
      %dma_start3A_286 = arith.constant 0 : i32
      %dma_start3A_287 = tpu.memref_slice %arg12[%add3A_285, %dma_start3A_286] : memref<512x64xf32, #tpu.memory_space<vmem>> -> memref<1x64xf32, #tpu.memory_space<vmem>>
      %dma_start3A_288 = tpu.memref_squeeze %dma_start3A_287 : memref<1x64xf32, #tpu.memory_space<vmem>> -> memref<64xf32, #tpu.memory_space<vmem>>
      %dma_start3A_289 = arith.constant 0 : i32
      %dma_start3A_290 = tpu.memref_slice %arg4[%shift_right_arithmetic3A_279, %and3A_281, %dma_start3A_289] : memref<125x8x64xf32, #tpu.memory_space<hbm>> -> memref<1x1x64xf32, #tpu.memory_space<hbm>>
      %dma_start3A_291 = tpu.memref_squeeze %dma_start3A_290 : memref<1x1x64xf32, #tpu.memory_space<hbm>> -> memref<64xf32, #tpu.memory_space<hbm>>
      %dma_start3A_292 = arith.constant 0 : i32
      %dma_start3A_293 = tpu.memref_slice %arg12[%add3A_285, %dma_start3A_292] : memref<512x64xf32, #tpu.memory_space<vmem>> -> memref<1x64xf32, #tpu.memory_space<vmem>>
      %dma_start3A_294 = tpu.memref_squeeze %dma_start3A_293 : memref<1x64xf32, #tpu.memory_space<vmem>> -> memref<64xf32, #tpu.memory_space<vmem>>
      %dma_start3A_295 = arith.constant 0 : i32
      %dma_start3A_296 = tpu.memref_slice %arg4[%shift_right_arithmetic3A_279, %and3A_281, %dma_start3A_295] : memref<125x8x64xf32, #tpu.memory_space<hbm>> -> memref<1x1x64xf32, #tpu.memory_space<hbm>>
      %dma_start3A_297 = tpu.memref_squeeze %dma_start3A_296 : memref<1x1x64xf32, #tpu.memory_space<hbm>> -> memref<64xf32, #tpu.memory_space<hbm>>
      tpu.enqueue_dma source(%dma_start3A_297 : memref<64xf32, #tpu.memory_space<hbm>>) target(%dma_start3A_294 : memref<64xf32, #tpu.memory_space<vmem>>) target_semaphore(%arg13 : memref<!tpu.dma_semaphore, #tpu.memory_space<semaphore_mem>>)
      %slice3A_298 = vector.extract_strided_slice %get3A_38 {offsets = [12], sizes = [1], strides = [1]} : vector<16xi32> to vector<1xi32>
      %squeeze3A_299 = vector.extract %slice3A_298[0] : i32 from vector<1xi32>
      %shift_right_arithmetic3A_300 = arith.constant 3 : i32
      %shift_right_arithmetic3A_301 = arith.shrsi %squeeze3A_299, %shift_right_arithmetic3A_300 : i32
      %and3A_302 = arith.constant 7 : i32
      %and3A_303 = arith.andi %squeeze3A_299, %and3A_302 : i32
      %mul3A_304 = arith.constant 16 : i32
      %mul3A_305 = arith.muli %scan3A_34, %mul3A_304 : i32
      %add3A_306 = arith.constant 12 : i32
      %add3A_307 = arith.addi %mul3A_305, %add3A_306 : i32
      %dma_start3A_308 = arith.constant 0 : i32
      %dma_start3A_309 = tpu.memref_slice %arg12[%add3A_307, %dma_start3A_308] : memref<512x64xf32, #tpu.memory_space<vmem>> -> memref<1x64xf32, #tpu.memory_space<vmem>>
      %dma_start3A_310 = tpu.memref_squeeze %dma_start3A_309 : memref<1x64xf32, #tpu.memory_space<vmem>> -> memref<64xf32, #tpu.memory_space<vmem>>
      %dma_start3A_311 = arith.constant 0 : i32
      %dma_start3A_312 = tpu.memref_slice %arg4[%shift_right_arithmetic3A_301, %and3A_303, %dma_start3A_311] : memref<125x8x64xf32, #tpu.memory_space<hbm>> -> memref<1x1x64xf32, #tpu.memory_space<hbm>>
      %dma_start3A_313 = tpu.memref_squeeze %dma_start3A_312 : memref<1x1x64xf32, #tpu.memory_space<hbm>> -> memref<64xf32, #tpu.memory_space<hbm>>
      %dma_start3A_314 = arith.constant 0 : i32
      %dma_start3A_315 = tpu.memref_slice %arg12[%add3A_307, %dma_start3A_314] : memref<512x64xf32, #tpu.memory_space<vmem>> -> memref<1x64xf32, #tpu.memory_space<vmem>>
      %dma_start3A_316 = tpu.memref_squeeze %dma_start3A_315 : memref<1x64xf32, #tpu.memory_space<vmem>> -> memref<64xf32, #tpu.memory_space<vmem>>
      %dma_start3A_317 = arith.constant 0 : i32
      %dma_start3A_318 = tpu.memref_slice %arg4[%shift_right_arithmetic3A_301, %and3A_303, %dma_start3A_317] : memref<125x8x64xf32, #tpu.memory_space<hbm>> -> memref<1x1x64xf32, #tpu.memory_space<hbm>>
      %dma_start3A_319 = tpu.memref_squeeze %dma_start3A_318 : memref<1x1x64xf32, #tpu.memory_space<hbm>> -> memref<64xf32, #tpu.memory_space<hbm>>
      tpu.enqueue_dma source(%dma_start3A_319 : memref<64xf32, #tpu.memory_space<hbm>>) target(%dma_start3A_316 : memref<64xf32, #tpu.memory_space<vmem>>) target_semaphore(%arg13 : memref<!tpu.dma_semaphore, #tpu.memory_space<semaphore_mem>>)
      %slice3A_320 = vector.extract_strided_slice %get3A_38 {offsets = [13], sizes = [1], strides = [1]} : vector<16xi32> to vector<1xi32>
      %squeeze3A_321 = vector.extract %slice3A_320[0] : i32 from vector<1xi32>
      %shift_right_arithmetic3A_322 = arith.constant 3 : i32
      %shift_right_arithmetic3A_323 = arith.shrsi %squeeze3A_321, %shift_right_arithmetic3A_322 : i32
      %and3A_324 = arith.constant 7 : i32
      %and3A_325 = arith.andi %squeeze3A_321, %and3A_324 : i32
      %mul3A_326 = arith.constant 16 : i32
      %mul3A_327 = arith.muli %scan3A_34, %mul3A_326 : i32
      %add3A_328 = arith.constant 13 : i32
      %add3A_329 = arith.addi %mul3A_327, %add3A_328 : i32
      %dma_start3A_330 = arith.constant 0 : i32
      %dma_start3A_331 = tpu.memref_slice %arg12[%add3A_329, %dma_start3A_330] : memref<512x64xf32, #tpu.memory_space<vmem>> -> memref<1x64xf32, #tpu.memory_space<vmem>>
      %dma_start3A_332 = tpu.memref_squeeze %dma_start3A_331 : memref<1x64xf32, #tpu.memory_space<vmem>> -> memref<64xf32, #tpu.memory_space<vmem>>
      %dma_start3A_333 = arith.constant 0 : i32
      %dma_start3A_334 = tpu.memref_slice %arg4[%shift_right_arithmetic3A_323, %and3A_325, %dma_start3A_333] : memref<125x8x64xf32, #tpu.memory_space<hbm>> -> memref<1x1x64xf32, #tpu.memory_space<hbm>>
      %dma_start3A_335 = tpu.memref_squeeze %dma_start3A_334 : memref<1x1x64xf32, #tpu.memory_space<hbm>> -> memref<64xf32, #tpu.memory_space<hbm>>
      %dma_start3A_336 = arith.constant 0 : i32
      %dma_start3A_337 = tpu.memref_slice %arg12[%add3A_329, %dma_start3A_336] : memref<512x64xf32, #tpu.memory_space<vmem>> -> memref<1x64xf32, #tpu.memory_space<vmem>>
      %dma_start3A_338 = tpu.memref_squeeze %dma_start3A_337 : memref<1x64xf32, #tpu.memory_space<vmem>> -> memref<64xf32, #tpu.memory_space<vmem>>
      %dma_start3A_339 = arith.constant 0 : i32
      %dma_start3A_340 = tpu.memref_slice %arg4[%shift_right_arithmetic3A_323, %and3A_325, %dma_start3A_339] : memref<125x8x64xf32, #tpu.memory_space<hbm>> -> memref<1x1x64xf32, #tpu.memory_space<hbm>>
      %dma_start3A_341 = tpu.memref_squeeze %dma_start3A_340 : memref<1x1x64xf32, #tpu.memory_space<hbm>> -> memref<64xf32, #tpu.memory_space<hbm>>
      tpu.enqueue_dma source(%dma_start3A_341 : memref<64xf32, #tpu.memory_space<hbm>>) target(%dma_start3A_338 : memref<64xf32, #tpu.memory_space<vmem>>) target_semaphore(%arg13 : memref<!tpu.dma_semaphore, #tpu.memory_space<semaphore_mem>>)
      %slice3A_342 = vector.extract_strided_slice %get3A_38 {offsets = [14], sizes = [1], strides = [1]} : vector<16xi32> to vector<1xi32>
      %squeeze3A_343 = vector.extract %slice3A_342[0] : i32 from vector<1xi32>
      %shift_right_arithmetic3A_344 = arith.constant 3 : i32
      %shift_right_arithmetic3A_345 = arith.shrsi %squeeze3A_343, %shift_right_arithmetic3A_344 : i32
      %and3A_346 = arith.constant 7 : i32
      %and3A_347 = arith.andi %squeeze3A_343, %and3A_346 : i32
      %mul3A_348 = arith.constant 16 : i32
      %mul3A_349 = arith.muli %scan3A_34, %mul3A_348 : i32
      %add3A_350 = arith.constant 14 : i32
      %add3A_351 = arith.addi %mul3A_349, %add3A_350 : i32
      %dma_start3A_352 = arith.constant 0 : i32
      %dma_start3A_353 = tpu.memref_slice %arg12[%add3A_351, %dma_start3A_352] : memref<512x64xf32, #tpu.memory_space<vmem>> -> memref<1x64xf32, #tpu.memory_space<vmem>>
      %dma_start3A_354 = tpu.memref_squeeze %dma_start3A_353 : memref<1x64xf32, #tpu.memory_space<vmem>> -> memref<64xf32, #tpu.memory_space<vmem>>
      %dma_start3A_355 = arith.constant 0 : i32
      %dma_start3A_356 = tpu.memref_slice %arg4[%shift_right_arithmetic3A_345, %and3A_347, %dma_start3A_355] : memref<125x8x64xf32, #tpu.memory_space<hbm>> -> memref<1x1x64xf32, #tpu.memory_space<hbm>>
      %dma_start3A_357 = tpu.memref_squeeze %dma_start3A_356 : memref<1x1x64xf32, #tpu.memory_space<hbm>> -> memref<64xf32, #tpu.memory_space<hbm>>
      %dma_start3A_358 = arith.constant 0 : i32
      %dma_start3A_359 = tpu.memref_slice %arg12[%add3A_351, %dma_start3A_358] : memref<512x64xf32, #tpu.memory_space<vmem>> -> memref<1x64xf32, #tpu.memory_space<vmem>>
      %dma_start3A_360 = tpu.memref_squeeze %dma_start3A_359 : memref<1x64xf32, #tpu.memory_space<vmem>> -> memref<64xf32, #tpu.memory_space<vmem>>
      %dma_start3A_361 = arith.constant 0 : i32
      %dma_start3A_362 = tpu.memref_slice %arg4[%shift_right_arithmetic3A_345, %and3A_347, %dma_start3A_361] : memref<125x8x64xf32, #tpu.memory_space<hbm>> -> memref<1x1x64xf32, #tpu.memory_space<hbm>>
      %dma_start3A_363 = tpu.memref_squeeze %dma_start3A_362 : memref<1x1x64xf32, #tpu.memory_space<hbm>> -> memref<64xf32, #tpu.memory_space<hbm>>
      tpu.enqueue_dma source(%dma_start3A_363 : memref<64xf32, #tpu.memory_space<hbm>>) target(%dma_start3A_360 : memref<64xf32, #tpu.memory_space<vmem>>) target_semaphore(%arg13 : memref<!tpu.dma_semaphore, #tpu.memory_space<semaphore_mem>>)
      %slice3A_364 = vector.extract_strided_slice %get3A_38 {offsets = [15], sizes = [1], strides = [1]} : vector<16xi32> to vector<1xi32>
      %squeeze3A_365 = vector.extract %slice3A_364[0] : i32 from vector<1xi32>
      %shift_right_arithmetic3A_366 = arith.constant 3 : i32
      %shift_right_arithmetic3A_367 = arith.shrsi %squeeze3A_365, %shift_right_arithmetic3A_366 : i32
      %and3A_368 = arith.constant 7 : i32
      %and3A_369 = arith.andi %squeeze3A_365, %and3A_368 : i32
      %mul3A_370 = arith.constant 16 : i32
      %mul3A_371 = arith.muli %scan3A_34, %mul3A_370 : i32
      %add3A_372 = arith.constant 15 : i32
      %add3A_373 = arith.addi %mul3A_371, %add3A_372 : i32
      %dma_start3A_374 = arith.constant 0 : i32
      %dma_start3A_375 = tpu.memref_slice %arg12[%add3A_373, %dma_start3A_374] : memref<512x64xf32, #tpu.memory_space<vmem>> -> memref<1x64xf32, #tpu.memory_space<vmem>>
      %dma_start3A_376 = tpu.memref_squeeze %dma_start3A_375 : memref<1x64xf32, #tpu.memory_space<vmem>> -> memref<64xf32, #tpu.memory_space<vmem>>
      %dma_start3A_377 = arith.constant 0 : i32
      %dma_start3A_378 = tpu.memref_slice %arg4[%shift_right_arithmetic3A_367, %and3A_369, %dma_start3A_377] : memref<125x8x64xf32, #tpu.memory_space<hbm>> -> memref<1x1x64xf32, #tpu.memory_space<hbm>>
      %dma_start3A_379 = tpu.memref_squeeze %dma_start3A_378 : memref<1x1x64xf32, #tpu.memory_space<hbm>> -> memref<64xf32, #tpu.memory_space<hbm>>
      %dma_start3A_380 = arith.constant 0 : i32
      %dma_start3A_381 = tpu.memref_slice %arg12[%add3A_373, %dma_start3A_380] : memref<512x64xf32, #tpu.memory_space<vmem>> -> memref<1x64xf32, #tpu.memory_space<vmem>>
      %dma_start3A_382 = tpu.memref_squeeze %dma_start3A_381 : memref<1x64xf32, #tpu.memory_space<vmem>> -> memref<64xf32, #tpu.memory_space<vmem>>
      %dma_start3A_383 = arith.constant 0 : i32
      %dma_start3A_384 = tpu.memref_slice %arg4[%shift_right_arithmetic3A_367, %and3A_369, %dma_start3A_383] : memref<125x8x64xf32, #tpu.memory_space<hbm>> -> memref<1x1x64xf32, #tpu.memory_space<hbm>>
      %dma_start3A_385 = tpu.memref_squeeze %dma_start3A_384 : memref<1x1x64xf32, #tpu.memory_space<hbm>> -> memref<64xf32, #tpu.memory_space<hbm>>
      tpu.enqueue_dma source(%dma_start3A_385 : memref<64xf32, #tpu.memory_space<hbm>>) target(%dma_start3A_382 : memref<64xf32, #tpu.memory_space<vmem>>) target_semaphore(%arg13 : memref<!tpu.dma_semaphore, #tpu.memory_space<semaphore_mem>>)
      %scan3A_386 = arith.constant 0 : i32
      scf.yield %scan3A_386 : i32
    }
    %scan3A_29 = arith.constant 32 : i32
    %dma_wait3A_30 = arith.constant 0 : i32
    %dma_wait3A_31 = tpu.memref_slice %arg10[%mul3A_2, %dma_wait3A_30] : memref<16384x64xf32, #tpu.memory_space<hbm>> -> memref<512x64xf32, #tpu.memory_space<hbm>>
    %dma_wait3A_32 = arith.constant 0 : i32
    %dma_wait3A_33 = tpu.memref_slice %arg10[%mul3A_2, %dma_wait3A_32] : memref<16384x64xf32, #tpu.memory_space<hbm>> -> memref<512x64xf32, #tpu.memory_space<hbm>>
    tpu.wait_dma2 semaphore(%arg13 : memref<!tpu.dma_semaphore, #tpu.memory_space<semaphore_mem>>) src(%dma_wait3A_33 : memref<512x64xf32, #tpu.memory_space<hbm>>) dst(%arg12 : memref<512x64xf32, #tpu.memory_space<vmem>>)
    "tpu.region"() ({
      %run_scoped3A = tpu.sem_alloc : memref<!tpu.dma_semaphore, #tpu.memory_space<semaphore_mem>>
      %dma_start3A = arith.constant 0 : i32
      %dma_start3A_34 = tpu.memref_slice %arg10[%mul3A_2, %dma_start3A] : memref<16384x64xf32, #tpu.memory_space<hbm>> -> memref<512x64xf32, #tpu.memory_space<hbm>>
      %dma_start3A_35 = arith.constant 0 : i32
      %dma_start3A_36 = tpu.memref_slice %arg10[%mul3A_2, %dma_start3A_35] : memref<16384x64xf32, #tpu.memory_space<hbm>> -> memref<512x64xf32, #tpu.memory_space<hbm>>
      tpu.enqueue_dma source(%arg12 : memref<512x64xf32, #tpu.memory_space<vmem>>) target(%dma_start3A_36 : memref<512x64xf32, #tpu.memory_space<hbm>>) target_semaphore(%run_scoped3A : memref<!tpu.dma_semaphore, #tpu.memory_space<semaphore_mem>>)
      %dma_wait3A_37 = arith.constant 0 : i32
      %dma_wait3A_38 = tpu.memref_slice %arg10[%mul3A_2, %dma_wait3A_37] : memref<16384x64xf32, #tpu.memory_space<hbm>> -> memref<512x64xf32, #tpu.memory_space<hbm>>
      %dma_wait3A_39 = arith.constant 0 : i32
      %dma_wait3A_40 = tpu.memref_slice %arg10[%mul3A_2, %dma_wait3A_39] : memref<16384x64xf32, #tpu.memory_space<hbm>> -> memref<512x64xf32, #tpu.memory_space<hbm>>
      tpu.wait_dma2 semaphore(%run_scoped3A : memref<!tpu.dma_semaphore, #tpu.memory_space<semaphore_mem>>) src(%arg12 : memref<512x64xf32, #tpu.memory_space<vmem>>) dst(%dma_wait3A_40 : memref<512x64xf32, #tpu.memory_space<hbm>>)
      tpu.yield
    }) : () -> ()
    return
  }
}

module attributes {stable_mosaic.version = 14 : i64} {
  func.func @_mlp_body(%arg0: i32, %arg1: memref<2048x64xf32, #tpu.memory_space<vmem>>, %arg2: memref<2048x64xf32, #tpu.memory_space<vmem>>, %arg3: memref<2048x64xf32, #tpu.memory_space<vmem>>, %arg4: memref<2048x2xf32, #tpu.memory_space<vmem>>, %arg5: memref<64x128xf32, #tpu.memory_space<vmem>>, %arg6: memref<64x128xf32, #tpu.memory_space<vmem>>, %arg7: memref<64x128xf32, #tpu.memory_space<vmem>>, %arg8: memref<2x128xf32, #tpu.memory_space<vmem>>, %arg9: memref<1x128xf32, #tpu.memory_space<vmem>>, %arg10: memref<128x64xf32, #tpu.memory_space<vmem>>, %arg11: memref<1x64xf32, #tpu.memory_space<vmem>>, %arg12: memref<64x1xf32, #tpu.memory_space<vmem>>, %arg13: memref<1x1xf32, #tpu.memory_space<vmem>>, %arg14: memref<2048x1xf32, #tpu.memory_space<vmem>>) attributes {dimension_semantics = [#tpu.dimension_semantics<arbitrary>], iteration_bounds = array<i64: 8>, scalar_prefetch = 0 : i64, scratch_operands = 0 : i64, tpu.core_type = #tpu.core_type<tc>, window_params = [{transform_indices = @transform_0, window_bounds = array<i64: 2048, 64>}, {transform_indices = @transform_1, window_bounds = array<i64: 2048, 64>}, {transform_indices = @transform_2, window_bounds = array<i64: 2048, 64>}, {transform_indices = @transform_3, window_bounds = array<i64: 2048, 2>}, {pipeline_mode = #tpu.pipeline_mode<synchronous>, transform_indices = @transform_4, window_bounds = array<i64: 64, 128>}, {pipeline_mode = #tpu.pipeline_mode<synchronous>, transform_indices = @transform_5, window_bounds = array<i64: 64, 128>}, {pipeline_mode = #tpu.pipeline_mode<synchronous>, transform_indices = @transform_6, window_bounds = array<i64: 64, 128>}, {pipeline_mode = #tpu.pipeline_mode<synchronous>, transform_indices = @transform_7, window_bounds = array<i64: 2, 128>}, {pipeline_mode = #tpu.pipeline_mode<synchronous>, transform_indices = @transform_8, window_bounds = array<i64: 1, 128>}, {pipeline_mode = #tpu.pipeline_mode<synchronous>, transform_indices = @transform_9, window_bounds = array<i64: 128, 64>}, {pipeline_mode = #tpu.pipeline_mode<synchronous>, transform_indices = @transform_10, window_bounds = array<i64: 1, 64>}, {pipeline_mode = #tpu.pipeline_mode<synchronous>, transform_indices = @transform_11, window_bounds = array<i64: 64, 1>}, {pipeline_mode = #tpu.pipeline_mode<synchronous>, transform_indices = @transform_12, window_bounds = array<i64: 1, 1>}, {transform_indices = @transform_13, window_bounds = array<i64: 2048, 1>}]} {
    %get3A = arith.constant 0 : index
    %get3A_0 = arith.constant 0 : index
    %get3A_1 = vector.load %arg1[%get3A, %get3A_0] : memref<2048x64xf32, #tpu.memory_space<vmem>>, vector<2048x64xf32>
    %get3A_2 = arith.constant 0 : index
    %get3A_3 = arith.constant 0 : index
    %get3A_4 = vector.load %arg5[%get3A_2, %get3A_3] : memref<64x128xf32, #tpu.memory_space<vmem>>, vector<64x128xf32>
    %dot_general3A = arith.constant dense<0.000000e+00> : vector<2048x128xf32>
    %dot_general3A_5 = tpu.matmul %get3A_1, %get3A_4, %dot_general3A {dimension_numbers = #tpu.dot_dimension_numbers<[1], [0], [0], [1], [0, 0, 1, 1], [], []>, transpose_lhs_hint = false} : vector<2048x64xf32>, vector<64x128xf32>, vector<2048x128xf32> -> vector<2048x128xf32>
    %get3A_6 = arith.constant 0 : index
    %get3A_7 = arith.constant 0 : index
    %get3A_8 = vector.load %arg2[%get3A_6, %get3A_7] : memref<2048x64xf32, #tpu.memory_space<vmem>>, vector<2048x64xf32>
    %get3A_9 = arith.constant 0 : index
    %get3A_10 = arith.constant 0 : index
    %get3A_11 = vector.load %arg6[%get3A_9, %get3A_10] : memref<64x128xf32, #tpu.memory_space<vmem>>, vector<64x128xf32>
    %dot_general3A_12 = arith.constant dense<0.000000e+00> : vector<2048x128xf32>
    %dot_general3A_13 = tpu.matmul %get3A_8, %get3A_11, %dot_general3A_12 {dimension_numbers = #tpu.dot_dimension_numbers<[1], [0], [0], [1], [0, 0, 1, 1], [], []>, transpose_lhs_hint = false} : vector<2048x64xf32>, vector<64x128xf32>, vector<2048x128xf32> -> vector<2048x128xf32>
    %add3A = arith.addf %dot_general3A_5, %dot_general3A_13 : vector<2048x128xf32>
    %get3A_14 = arith.constant 0 : index
    %get3A_15 = arith.constant 0 : index
    %get3A_16 = vector.load %arg3[%get3A_14, %get3A_15] : memref<2048x64xf32, #tpu.memory_space<vmem>>, vector<2048x64xf32>
    %get3A_17 = arith.constant 0 : index
    %get3A_18 = arith.constant 0 : index
    %get3A_19 = vector.load %arg7[%get3A_17, %get3A_18] : memref<64x128xf32, #tpu.memory_space<vmem>>, vector<64x128xf32>
    %dot_general3A_20 = arith.constant dense<0.000000e+00> : vector<2048x128xf32>
    %dot_general3A_21 = tpu.matmul %get3A_16, %get3A_19, %dot_general3A_20 {dimension_numbers = #tpu.dot_dimension_numbers<[1], [0], [0], [1], [0, 0, 1, 1], [], []>, transpose_lhs_hint = false} : vector<2048x64xf32>, vector<64x128xf32>, vector<2048x128xf32> -> vector<2048x128xf32>
    %add3A_22 = arith.addf %add3A, %dot_general3A_21 : vector<2048x128xf32>
    %get3A_23 = arith.constant 0 : index
    %get3A_24 = arith.constant 0 : index
    %get3A_25 = vector.load %arg4[%get3A_23, %get3A_24] : memref<2048x2xf32, #tpu.memory_space<vmem>>, vector<2048x2xf32>
    %get3A_26 = arith.constant 0 : index
    %get3A_27 = arith.constant 0 : index
    %get3A_28 = vector.load %arg8[%get3A_26, %get3A_27] : memref<2x128xf32, #tpu.memory_space<vmem>>, vector<2x128xf32>
    %dot_general3A_29 = arith.constant dense<0.000000e+00> : vector<2048x128xf32>
    %dot_general3A_30 = tpu.matmul %get3A_25, %get3A_28, %dot_general3A_29 {dimension_numbers = #tpu.dot_dimension_numbers<[1], [0], [0], [1], [0, 0, 1, 1], [], []>, transpose_lhs_hint = false} : vector<2048x2xf32>, vector<2x128xf32>, vector<2048x128xf32> -> vector<2048x128xf32>
    %add3A_31 = arith.addf %add3A_22, %dot_general3A_30 : vector<2048x128xf32>
    %get3A_32 = arith.constant 0 : index
    %get3A_33 = arith.constant 0 : index
    %get3A_34 = vector.load %arg9[%get3A_32, %get3A_33] : memref<1x128xf32, #tpu.memory_space<vmem>>, vector<1x128xf32>
    %add3A_35 = vector.broadcast %get3A_34 : vector<1x128xf32> to vector<2048x128xf32>
    %add3A_36 = arith.addf %add3A_31, %add3A_35 : vector<2048x128xf32>
    %max3A = arith.constant 0.000000e+00 : f32
    %max3A_37 = vector.broadcast %max3A : f32 to vector<2048x128xf32>
    %max3A_38 = arith.maximumf %add3A_36, %max3A_37 : vector<2048x128xf32>
    %get3A_39 = arith.constant 0 : index
    %get3A_40 = arith.constant 0 : index
    %get3A_41 = vector.load %arg10[%get3A_39, %get3A_40] : memref<128x64xf32, #tpu.memory_space<vmem>>, vector<128x64xf32>
    %dot_general3A_42 = arith.constant dense<0.000000e+00> : vector<2048x64xf32>
    %dot_general3A_43 = tpu.matmul %max3A_38, %get3A_41, %dot_general3A_42 {dimension_numbers = #tpu.dot_dimension_numbers<[1], [0], [0], [1], [0, 0, 1, 1], [], []>, transpose_lhs_hint = false} : vector<2048x128xf32>, vector<128x64xf32>, vector<2048x64xf32> -> vector<2048x64xf32>
    %get3A_44 = arith.constant 0 : index
    %get3A_45 = arith.constant 0 : index
    %get3A_46 = vector.load %arg11[%get3A_44, %get3A_45] : memref<1x64xf32, #tpu.memory_space<vmem>>, vector<1x64xf32>
    %add3A_47 = vector.broadcast %get3A_46 : vector<1x64xf32> to vector<2048x64xf32>
    %add3A_48 = arith.addf %dot_general3A_43, %add3A_47 : vector<2048x64xf32>
    %max3A_49 = arith.constant 0.000000e+00 : f32
    %max3A_50 = vector.broadcast %max3A_49 : f32 to vector<2048x64xf32>
    %max3A_51 = arith.maximumf %add3A_48, %max3A_50 : vector<2048x64xf32>
    %get3A_52 = arith.constant 0 : index
    %get3A_53 = arith.constant 0 : index
    %get3A_54 = vector.load %arg12[%get3A_52, %get3A_53] : memref<64x1xf32, #tpu.memory_space<vmem>>, vector<64x1xf32>
    %dot_general3A_55 = arith.constant dense<0.000000e+00> : vector<2048x1xf32>
    %dot_general3A_56 = tpu.matmul %max3A_51, %get3A_54, %dot_general3A_55 {dimension_numbers = #tpu.dot_dimension_numbers<[1], [0], [0], [1], [0, 0, 1, 1], [], []>, transpose_lhs_hint = false} : vector<2048x64xf32>, vector<64x1xf32>, vector<2048x1xf32> -> vector<2048x1xf32>
    %get3A_57 = arith.constant 0 : index
    %get3A_58 = arith.constant 0 : index
    %get3A_59 = vector.load %arg13[%get3A_57, %get3A_58] : memref<1x1xf32, #tpu.memory_space<vmem>>, vector<1x1xf32>
    %add3A_60 = vector.broadcast %get3A_59 : vector<1x1xf32> to vector<2048x1xf32>
    %add3A_61 = arith.addf %dot_general3A_56, %add3A_60 : vector<2048x1xf32>
    %swap3A = arith.constant 0 : index
    %swap3A_62 = arith.constant 0 : index
    %swap3A_63 = vector.load %arg14[%swap3A, %swap3A_62] : memref<2048x1xf32, #tpu.memory_space<vmem>>, vector<2048x1xf32>
    tpu.vector_store %arg14[%swap3A, %swap3A_62], %add3A_61 {strides = array<i32>} : memref<2048x1xf32, #tpu.memory_space<vmem>>, vector<2048x1xf32>,
    return
  }
  func.func @transform_0(%arg0: i32) -> (i32, i32) {
    %c0_i32 = arith.constant 0 : i32
    %c0_i32_0 = arith.constant 0 : i32
    return %arg0, %c0_i32 : i32, i32
  }
  func.func @transform_1(%arg0: i32) -> (i32, i32) {
    %c0_i32 = arith.constant 0 : i32
    %c0_i32_0 = arith.constant 0 : i32
    return %arg0, %c0_i32 : i32, i32
  }
  func.func @transform_2(%arg0: i32) -> (i32, i32) {
    %c0_i32 = arith.constant 0 : i32
    %c0_i32_0 = arith.constant 0 : i32
    return %arg0, %c0_i32 : i32, i32
  }
  func.func @transform_3(%arg0: i32) -> (i32, i32) {
    %c0_i32 = arith.constant 0 : i32
    %c0_i32_0 = arith.constant 0 : i32
    return %arg0, %c0_i32 : i32, i32
  }
  func.func @transform_4(%arg0: i32) -> (i32, i32) {
    %c0_i32 = arith.constant 0 : i32
    %c0_i32_0 = arith.constant 0 : i32
    %c0_i32_1 = arith.constant 0 : i32
    return %c0_i32, %c0_i32_0 : i32, i32
  }
  func.func @transform_5(%arg0: i32) -> (i32, i32) {
    %c0_i32 = arith.constant 0 : i32
    %c0_i32_0 = arith.constant 0 : i32
    %c0_i32_1 = arith.constant 0 : i32
    return %c0_i32, %c0_i32_0 : i32, i32
  }
  func.func @transform_6(%arg0: i32) -> (i32, i32) {
    %c0_i32 = arith.constant 0 : i32
    %c0_i32_0 = arith.constant 0 : i32
    %c0_i32_1 = arith.constant 0 : i32
    return %c0_i32, %c0_i32_0 : i32, i32
  }
  func.func @transform_7(%arg0: i32) -> (i32, i32) {
    %c0_i32 = arith.constant 0 : i32
    %c0_i32_0 = arith.constant 0 : i32
    %c0_i32_1 = arith.constant 0 : i32
    return %c0_i32, %c0_i32_0 : i32, i32
  }
  func.func @transform_8(%arg0: i32) -> (i32, i32) {
    %c0_i32 = arith.constant 0 : i32
    %c0_i32_0 = arith.constant 0 : i32
    %c0_i32_1 = arith.constant 0 : i32
    return %c0_i32, %c0_i32_0 : i32, i32
  }
  func.func @transform_9(%arg0: i32) -> (i32, i32) {
    %c0_i32 = arith.constant 0 : i32
    %c0_i32_0 = arith.constant 0 : i32
    %c0_i32_1 = arith.constant 0 : i32
    return %c0_i32, %c0_i32_0 : i32, i32
  }
  func.func @transform_10(%arg0: i32) -> (i32, i32) {
    %c0_i32 = arith.constant 0 : i32
    %c0_i32_0 = arith.constant 0 : i32
    %c0_i32_1 = arith.constant 0 : i32
    return %c0_i32, %c0_i32_0 : i32, i32
  }
  func.func @transform_11(%arg0: i32) -> (i32, i32) {
    %c0_i32 = arith.constant 0 : i32
    %c0_i32_0 = arith.constant 0 : i32
    %c0_i32_1 = arith.constant 0 : i32
    return %c0_i32, %c0_i32_0 : i32, i32
  }
  func.func @transform_12(%arg0: i32) -> (i32, i32) {
    %c0_i32 = arith.constant 0 : i32
    %c0_i32_0 = arith.constant 0 : i32
    %c0_i32_1 = arith.constant 0 : i32
    return %c0_i32, %c0_i32_0 : i32, i32
  }
  func.func @transform_13(%arg0: i32) -> (i32, i32) {
    %c0_i32 = arith.constant 0 : i32
    %c0_i32_0 = arith.constant 0 : i32
    return %arg0, %c0_i32 : i32, i32
  }
}

</mosaic_0001>

<sc_bundles>
// kernel: kernel.4.cloned.1.call-start
scs
__scs_entry_jumppad:
0x0: {  	(pc) =	sbr.rel $0x88, $3  }
0x1: {  	(tag) =	ssettag $0x0;
	lr =	simm.s32 $0x1  }
0x2: {  	[smem:$0x3F93] =	sst lr;
	_ =	strace $0xD0000000  }
0x3: {  	_ = 	snop  }
0x4: {  	_ = 	snop  }
0x5: {  	_ = 	snop  }
0x6: {  	_ = 	snop  }
0x7: {  	_ = 	snop  }
__scs_overlays_trampoline_lowered:
0x8: {  	[smem:$0x3FA2] =	sst s0  }
0x9: {  	[smem:$0x3FA3] =	sst s1  }
0xa: {  	[smem:$0x3FA4] =	sst s2  }
0xb: {  	[smem:$0x3FA5] =	sst s3  }
0xc: {  	[smem:$0x3FA6] =	sst s4  }
0xd: {  	[smem:$0x3FA7] =	sst s5  }
0xe: {  	[smem:$0x3FA8] =	sst s6  }
0xf: {  	[smem:$0x3FA9] =	sst s7  }
0x10: {  	[smem:$0x3FAA] =	sst s8  }
0x11: {  	[smem:$0x3FAB] =	sst s9;
	s0 =	simm.s32 @!p0 $0x0  }
0x12: {  	s1 =	sld [smem:$0x3F91];
	s0 =	simm.s32 @p0 $0x1  }
0x13: {  	[smem:$0x3FAC] =	sst s0;
	s0 =	simm.s32 @!p1 $0x0  }
0x14: {  	s2 =	sld [smem:$0x3F90];
	s0 =	simm.s32 @p1 $0x1  }
0x15: {  	[smem:$0x3FAD] =	sst s0;
	s0 =	simm.s32 @!p2 $0x0  }
0x16: {  	s3 =	sld [smem:$0x3FDB];
	s0 =	simm.s32 @p2 $0x1  }
0x17: {  	s4 =	simm.s32 $0x1BF5;
	[smem:$0x3FAF] =	sst s0  }
0x18: {  	s0 =	sld [smem:$0x3F92];
	_ =	swait.ge [sflag:s4], $0x0  }
0x19: {  	s7 =	sld [smem:$0x3F93]  }
0x1a: {  	s8 =	sadd.s32 $0xFFFFE003, lr  }
0x1b: {  	s9 =	sadd.s32 $0xFFFFFEF7, lr;
	s5 =	simm.s32 $0xFFFFFFFF;
	p2 =	slt.u32 s8, $0xFFFFF086  }
0x1c: {  	p1 =	slt.u32 s9, $0xF7A;
	s5 =	simm.s32 @!p2 $0x0  }
0x1d: {  	s5 =	simm.s32 @p1 $0x1;
	p0 =	seq.s32 s7, s2  }
0x1e: {  	s7 =	smul.u32 @!p0 $0xF7A, s2;
	p2 =	seq.s32 @!p0 s5, $0x0  }
0x1f: {  	s9 =	smul.u32 $0xF7A, s1;
	s8 =	simm.s32 @!p0 $0x1BF5;
	p2 =	por !p2, p0  }
0x20: {  	[sflag:s8] =	ssyncset.s32 @!p0 $0xFFFFF086;
	s6 =	sadd.s32 @!p0 s3, s7;
	s7 =	simm.s32 @!p0 $0x108  }
0x21: {  	s3 =	sadd.s32 s3, s9;
	s6 =	sadd.s32 @!p0 $0x88, s6;
	s7 =	simm.s32 @p2 $0x1082  }
0x22: {  	[simem:s7], [sflag:s8] =	dma.local @!p0 [hbm:s6], $0xF7A  }
0x23: {  	s9 =	sor.u32 $0xD0000000, s2;
	s6 =	simm.s32 $0x108;
	_ =	swait.ge @!p0 [sflag:s8], $0x0  }
0x24: {  	s3 =	sadd.s32 $0x88, s3;
	s6 =	simm.s32 @!p1 $0x1082;
	[sflag:s4] =	ssyncset.s32 $0xFFFFF086  }
0x25: {  	[simem:s6], [sflag:s4] =	dma.local [hbm:s3], $0xF7A  }
0x26: {  	[smem:$0x3F93] =	sst s1;
	(tag) =	ssettag s2;
	_ =	strace s9  }
0x27: {  	s1 =	sld [smem:$0x3FA3]  }
0x28: {  	s2 =	sld [smem:$0x3FA4]  }
0x29: {  	s4 =	sld [smem:$0x3FA6]  }
0x2a: {  	p0 =	seq.s32 s5, $0x0;
	s5 =	sld [smem:$0x3FA7]  }
0x2b: {  	s6 =	sld [smem:$0x3FA8]  }
0x2c: {  	s7 =	sld [smem:$0x3FA9]  }
0x2d: {  	s3 =	simm.s32 $0x108;
	s8 =	sld [smem:$0x3FAA]  }
0x2e: {  	s3 =	simm.s32 @!p0 $0x1082;
	s9 =	sld [smem:$0x3FAB]  }
0x2f: {  	lr =	sadd.s32 s0, s3;
	s0 =	sld [smem:$0x3FA2]  }
0x30: {  	s3 =	sld [smem:$0x3FA5]  }
0x31: {  	[smem:$0x3FAE] =	sst s10  }
0x32: {  	s10 =	sld [smem:$0x3FAC];
	_ =	sdelay $0x3  }
0x33: {  	p0 =	seq.s32 s10, $0x1;
	s10 =	sld [smem:$0x3FAE];
	_ =	sdelay $0x3  }
0x34: {  	[smem:$0x3FAE] =	sst s10  }
0x35: {  	s10 =	sld [smem:$0x3FAD];
	_ =	sdelay $0x3  }
0x36: {  	p1 =	seq.s32 s10, $0x1;
	s10 =	sld [smem:$0x3FAE];
	_ =	sdelay $0x3  }
0x37: {  	[smem:$0x3FAE] =	sst s10  }
0x38: {  	s10 =	sld [smem:$0x3FAF]  }
0x39: {  	_ = 	snop;
	(pc) =	sbr.ind lr, $3  }
0x3a: {  	_ = 	snop  }
0x3b: {  	_ = 	snop  }
0x3c: {  	p2 =	seq.s32 s10, $0x1;
	s10 =	sld [smem:$0x3FAE]  }
0x3d: {  	_ =	shalt  }
0x3e: {  	_ =	shalt  }
0x3f: {  	_ =	shalt  }
0x40: {  	_ =	shalt  }
0x41: {  	_ =	shalt  }
0x42: {  	_ =	shalt  }
0x43: {  	_ =	shalt  }
0x44: {  	_ =	shalt  }
0x45: {  	_ =	shalt  }
0x46: {  	_ =	shalt  }
0x47: {  	_ =	shalt  }
0x48: {  	_ =	shalt  }
0x49: {  	_ =	shalt  }
0x4a: {  	_ =	shalt  }
0x4b: {  	_ =	shalt  }
0x4c: {  	_ =	shalt  }
0x4d: {  	_ =	shalt  }
0x4e: {  	_ =	shalt  }
0x4f: {  	_ =	shalt  }
0x50: {  	_ =	shalt  }
0x51: {  	_ =	shalt  }
0x52: {  	_ =	shalt  }
0x53: {  	_ =	shalt  }
0x54: {  	_ =	shalt  }
0x55: {  	_ =	shalt  }
0x56: {  	_ =	shalt  }
0x57: {  	_ =	shalt  }
0x58: {  	_ =	shalt  }
0x59: {  	_ =	shalt  }
0x5a: {  	_ =	shalt  }
0x5b: {  	_ =	shalt  }
0x5c: {  	_ =	shalt  }
0x5d: {  	_ =	shalt  }
0x5e: {  	_ =	shalt  }
0x5f: {  	_ =	shalt  }
0x60: {  	_ =	shalt  }
0x61: {  	_ =	shalt  }
0x62: {  	_ =	shalt  }
0x63: {  	_ =	shalt  }
0x64: {  	_ =	shalt  }
0x65: {  	_ =	shalt  }
0x66: {  	_ =	shalt  }
0x67: {  	_ =	shalt  }
0x68: {  	_ =	shalt  }
0x69: {  	_ =	shalt  }
0x6a: {  	_ =	shalt  }
0x6b: {  	_ =	shalt  }
0x6c: {  	_ =	shalt  }
0x6d: {  	_ =	shalt  }
0x6e: {  	_ =	shalt  }
0x6f: {  	_ =	shalt  }
0x70: {  	_ =	shalt  }
0x71: {  	_ =	shalt  }
0x72: {  	_ =	shalt  }
0x73: {  	_ =	shalt  }
0x74: {  	_ =	shalt  }
0x75: {  	_ =	shalt  }
0x76: {  	_ =	shalt  }
0x77: {  	_ =	shalt  }
0x78: {  	_ =	shalt  }
0x79: {  	_ =	shalt  }
0x7a: {  	_ =	shalt  }
0x7b: {  	_ =	shalt  }
0x7c: {  	_ =	shalt  }
0x7d: {  	_ =	shalt  }
0x7e: {  	_ =	shalt  }
0x7f: {  	_ =	shalt  }
0x80: {  	_ =	shalt  }
0x81: {  	_ =	shalt  }
0x82: {  	_ =	shalt  }
0x83: {  	_ =	shalt  }
0x84: {  	_ =	shalt  }
0x85: {  	_ =	shalt  }
0x86: {  	_ =	shalt  }
0x87: {  	_ =	shalt  }
.Lfunc_end0:
.L_simem_size_0:
called_computation_lowered:
.L_overlay_start_0:
0x88: {  	s2 =	sld [smem:$0x3FD9]  }
0x89: {  	s3 =	sld [smem:$0x3FFE];
	_ =	sdelay $0x1  }
0x8a: {  	s1 =	srdreg.scid  }
0x8b: {  	s0 =	sand.u32 $0x1, s1  }
0x8c: {  	s17 =	sshll.u32 s0, $0xA;
	s2 =	sadd.s32 s3, s2  }
0x8d: {  	s2 =	sadd.s32 s2, s17  }
0x8e: {  	[smem:$0x3FBA] =	sst s2  }
0x8f: {  	_ = 	snop  }
0x90: {  	s2 =	sld [smem:$0x3FC9]  }
0x91: {  	s18 =	sld [smem:$0x3FC8]  }
0x92: {  	s4 =	sld [smem:$0x3FC7];
	(tm) =	ssettm $0x1  }
0x93: {  	s5 =	sld [smem:$0x3FFB];
	_ =	sdelay $0x3  }
0x94: {  	_ =	strace s5  }
0x95: {  	s5 =	sld [smem:$0x3FFC];
	_ =	sdelay $0x3  }
0x96: {  	_ =	strace s5  }
0x97: {  	s5 =	sld [smem:$0x3FFD];
	_ =	sdelay $0x3  }
0x98: {  	_ =	strace s5  }
0x99: {  	_ =	strace $0x8FFFFFFF  }
0x9a: {  	s19 =	sld [smem:$0x3FDB];
	_ =	sdelay $0x1  }
0x9b: {  	s6 =	simm.s32 $_scs_section_size  }
0x9c: {  	s7 =	simm.s32 $_size__tile_overlayer_lowered;
	s8 =	simm.s32 $_tile_overlayer_lowered  }
0x9d: {  	s22 =	simm.s32 $0x1BFF;
	s21 =	sshll.u32 s8, $0x1;
	s5 =	sadd.s32 s6, s19  }
0x9e: {  	s9 =	simm.s32 $0x0;
	s20 =	sshll.u32 s7, $0x1;
	s7 =	sadd.s32 s21, s5  }
0x9f: {  	[timem:s9], [sflag:s22] =	dma.local [hbm:s7], s20  }
0xa0: {  	_ =	swait.ge [sflag:s22], s20  }
0xa1: {  	s6 =	ssub.s32 $0x0, s20;
	[sflag:s22] =	ssyncset.done $0x0  }
0xa2: {  	[sflag:s22] =	ssyncadd.s32 s6;
	_ =	sdelay $0x1  }
0xa3: {  	s23 =	simm.s32 $0x1B8B  }
0xa4: {  	_ =	swait.ge [sflag:s23], $0x1  }
0xa5: {  	[sflag:s23] =	ssyncset.done $0x0  }
0xa6: {  	s25 =	simm.s32 $0x1B8E;
	s24 =	sld [smem:$0x3FFE];
	[sflag:s23] =	ssyncadd.s32 $0xFFFFFFFF  }
0xa7: {  	s26 =	simm.s32 $execute0_lowered;
	[smem:$0x3FD2] =	sst s25  }
0xa8: {  	s7 =	sshll.u32 s26, $0x1;
	_ =	strace $0x80000046;
	[dreg:$0x1] =	wrdreg $0xFFFFFFFF  }
0xa9: {  	s28 =	simm.s32 $_size_execute0_lowered;
	s5 =	sadd.s32 s5, s7;
	[dreg:$0x0] =	wrdreg $0x0  }
0xaa: {  	s7 =	sshll.u32 s28, $0x1;
	[dreg:$0x2] =	wrdreg s5  }
0xab: {  	[dreg:$0x3] =	wrdreg s7  }
0xac: {  	[dreg:$0x4] =	wrdreg $0xC0  }
0xad: {  	_ =	task [dreg:s9], $0x5FFFF  }
0xae: {  	[dreg:$0x1] =	wrdreg $0xFFFFFFFF  }
0xaf: {  	[dreg:$0x0] =	wrdreg $0x60  }
0xb0: {  	[dreg:$0x2] =	wrdreg s24  }
0xb1: {  	[dreg:$0x3] =	wrdreg s2  }
0xb2: {  	[dreg:$0x4] =	wrdreg s18  }
0xb3: {  	[dreg:$0x5] =	wrdreg s4  }
0xb4: {  	[dreg:$0x6] =	wrdreg $0x9  }
0xb5: {  	_ =	task.clear_ibuf [dreg:s9], $0x7FFFF;
	_ =	strace $0x90000046  }
0xb6: {  	s29 =	simm.s32 $0x9;
	_ =	strace $0x80000048  }
0xb7: {  	_ =	swait.ge [sflag:s29], $0x1  }
0xb8: {  	[sflag:s29] =	ssyncadd.s32 $0xFFFFFFFF  }
0xb9: {  	_ =	strace $0x90000048  }
0xba: {  	_ =	sfence  }
0xbb: {  	s30 =	sld [smem:$0x0];
	_ =	sdelay $0x2  }
0xbc: {  	s31 =	sshll.u32 s1, $0xD;
	s1 =	sshrl.u32 s1, $0x2  }
0xbd: {  	s3 =	sand.u32 $0x4000, s31;
	s1 =	sadd.s32 s1, s30  }
0xbe: {  	s0 =	sor.u32 s3, s0;
	s1 =	sshll.u32 s1, $0x11  }
0xbf: {  	s0 =	sor.u32 s1, s0  }
0xc0: {  	s0 =	sadd.s32 $0x8F2B, s0  }
0xc1: {  	[sflag:s0] =	ssyncadd.remote.s32 $0x1  }
0xc2: {  	_ =	sfence.sel $0xFFFF  }
0xc3: {  	[dreg:$0x0] =	wrdreg $0xFFFFFFFF;
	(pc) =	sbr.abs _section_cstart, $3  }
0xc4: {  	[dreg:$0x1] =	wrdreg $0xFFFFFFFF  }
0xc5: {  	_ =	task.clear_ibuf [dreg:s9], $0x2FFFF;
	_ =	strace $0x9FFFFFFF  }
0xc6: {  	(tm) =	ssettm $0x7FFFFFFF  }
0xc7: {  	_ =	shalt  }
tec
execute0_lowered:
.L_overlay_start_1:
0x0: {  	(tag) =	ssettag $0x1  }
0x1: {  	s6 =	rddreg [dreg:$0x0]  }
0x2: {  	s7 =	rddreg [dreg:$0x1]  }
0x3: {  	s8 =	rddreg [dreg:$0x2]  }
0x4: {  	s10 =	rddreg [dreg:$0x3]  }
0x5: {  	s2 =	simm.s32 $0x0;
	s3 =	srdreg.scid;
	s0 =	stileid.u32  }
0x6: {  	s14 =	simm.s32 $0x1;
	s15 =	simm.s32 $0x200;
	s16 =	simm.s32 $0x0  }
0x7: {  	[smem:$0x7FF] =	sst s2;
	s9 =	sand.u32 $0x1, s3;
	s5 =	sshll.u32 s0, $0xA  }
0x8: {  	s3 =	sadd.s32 $0x1800, s6;
	s4 =	sadd.s32 $0xF43C00, s6;
	s11 =	sshll.u32 s9, $0x9  }
0x9: {  	_ =	strace $0x80000047;
	s9 =	ssub.s32 $0x2, s9;
	s11 =	sor.u32 s11, s5  }
0xa: {  	s26 =	sshrl.u32 s9, $0x1;
	s12 =	sshll.u32 s11, $0x4;
	s11 =	sshrl.u32 s11, $0x3  }
0xb: {  	s5 =	sadd.s32 $0x10CA600, s6;
	s13 =	ssub.s32 s9, s26;
	s28 =	sadd.s32 s7, s11  }
0xc: {  	s12 =	sadd.s32 s12, s6;
	s30 =	sadd.s32 s8, s11;
	[dreg:$0x5] =	wrdreg s28  }
0xd: {  	s10 =	sadd.s32 s10, s11;
	s29 =	sadd.s32 $0x10CE600, s12;
	[dreg:$0x7] =	wrdreg s30  }
0xe: {  	s31 =	sadd.s32 $0x110E600, s12;
	s11 =	sadd.s32 $0x114E600, s12;
	[dreg:$0x6] =	wrdreg s29  }
0xf: {  	s12 =	smax.u32 s13, $0x1;
	s13 =	simm.s32 $0x2;
	[dreg:$0x8] =	wrdreg s31  }
.LBB2_1:
0x10: {  	s0 =	rddreg [dreg:$0x5]  }
0x11: {  	[tilespmem:s2], [sflag:$0x2] =	stream.linear.gather [hbm4b:s0+s2], $0x200, $0x38;
	[tilespmem:$0x10200] =	vst v63  }
0x12: {  	_ =	swait.ge [sflag:s13], $0x200  }
0x13: {  	[sflag:s13] =	ssyncset.done $0x0  }
0x14: {  	[sflag:s13] =	ssyncadd.s32 $0xFFFFFE00  }
0x15: {  	v0 =	vld [tilespmem:s2+$0x0];
	_ =	sdelay $0x4  }
0x16: {  	v0 =	vshll.u32 v0, $0x4  }
0x17: {  	(v2sf) =	vpush v0, $0x0  }
0x18: {  	(v2sf) =	vpush v0, $0x1  }
0x19: {  	(v2sf) =	vpush v0, $0x2;
	_ =	sdelay $0x1  }
0x1a: {  	(v2sf) =	vpush v0, $0x4;
	_ =	sdelay $0x1  }
0x1b: {  	(v2sf) =	vpush v0, $0x3  }
0x1c: {  	(v2sf) =	vpush v0, $0x5  }
0x1d: {  	s18 =	simm.s32 $0x2000;
	s17 =	simm.s32 $0x0;
	s19 =	simm.s32 $0x0;
	(v2sf) =	vpush v0, $0x6  }
.LBB2_2:
0x1e: {  	p0 =	sne.s32 s18, $0x3E000  }
0x1f: {  	s30 =	sadd.s32 $0x280, s17;
	s23 =	sadd.s32 $0x780, s17;
	s20 =	smov.u32 s18  }
0x20: {  	s18 =	sadd.s32 $0x2000, s18;
	s26 =	sadd.s32 $0x580, s17;
	s21 =	sadd.s32 $0x800, s17;
	(v2sf) =	vpush v0, $0x7  }
0x21: {  	s29 =	sadd.s32 $0x480, s17;
	s25 =	sadd.s32 $0x600, s17;
	s22 =	sadd.s32 $0x880, s17  }
0x22: {  	s31 =	sadd.s32 $0x200, s17;
	s0 =	sadd.s32 $0x400, s17;
	(v2sf) =	vpush v0, $0x8  }
0x23: {  	s1 =	sadd.s32 $0x500, s17;
	s19 =	sadd.s32 $0x10, s19  }
0x24: {  	s6 =	sadd.s32 $0x300, s17;
	s24 =	sadd.s32 $0x700, s17;
	s28 =	spop (v2sf);
	(v2sf) =	vpush v0, $0x9  }
0x25: {  	s7 =	sand.u32 $0x1FFFFFF0, s28;
	s28 =	sadd.s32 $0x680, s17;
	s8 =	spop (v2sf)  }
0x26: {  	s7 =	sadd.s32 s3, s7;
	s8 =	sand.u32 $0x1FFFFFF0, s8;
	s9 =	spop (v2sf);
	(v2sf) =	vpush v0, $0xA  }
0x27: {  	[tilespmem:s31], [sflag:$0x1] =	stream.linear.gather [hbm4b:s7+s2], $0x80, $0x38;
	[tilespmem:$0x10200] =	vst v63  }
0x28: {  	s7 =	sadd.s32 s3, s8;
	s8 =	sadd.s32 $0x380, s17;
	s31 =	spop (v2sf);
	(v2sf) =	vpush v0, $0xB  }
0x29: {  	[tilespmem:s30], [sflag:$0x1] =	stream.linear.gather [hbm4b:s7+s2], $0x80, $0x38;
	[tilespmem:$0x10200] =	vst v63  }
0x2a: {  	s7 =	sand.u32 $0x1FFFFFF0, s9;
	s9 =	sand.u32 $0x1FFFFFF0, s31;
	s30 =	spop (v2sf);
	(v2sf) =	vpush v0, $0xC  }
0x2b: {  	s7 =	sadd.s32 s3, s7;
	s30 =	sand.u32 $0x1FFFFFF0, s30;
	s31 =	spop (v2sf)  }
0x2c: {  	[tilespmem:s6], [sflag:$0x1] =	stream.linear.gather [hbm4b:s7+s2], $0x80, $0x38;
	(v2sf) =	vpush v0, $0xD;
	[tilespmem:$0x10200] =	vst v63  }
0x2d: {  	s6 =	sadd.s32 s3, s30;
	s7 =	sand.u32 $0x1FFFFFF0, s31;
	s30 =	spop (v2sf)  }
0x2e: {  	[tilespmem:s8], [sflag:$0x1] =	stream.linear.gather [hbm4b:s6+s2], $0x80, $0x38;
	(v2sf) =	vpush v0, $0xE;
	[tilespmem:$0x10200] =	vst v63  }
0x2f: {  	s6 =	sadd.s32 s3, s9;
	s8 =	sand.u32 $0x1FFFFFF0, s30;
	s9 =	spop (v2sf)  }
0x30: {  	[tilespmem:s0], [sflag:$0x1] =	stream.linear.gather [hbm4b:s6+s2], $0x80, $0x38;
	(v2sf) =	vpush v0, $0xF;
	[tilespmem:$0x10200] =	vst v63  }
0x31: {  	s0 =	sadd.s32 s3, s7;
	s6 =	sand.u32 $0x1FFFFFF0, s9;
	s7 =	spop (v2sf)  }
0x32: {  	[tilespmem:s29], [sflag:$0x1] =	stream.linear.gather [hbm4b:s0+s2], $0x80, $0x38;
	[tilespmem:$0x10200] =	vst v63  }
0x33: {  	s0 =	sadd.s32 s3, s8;
	s7 =	sand.u32 $0x1FFFFFF0, s7;
	s8 =	spop (v2sf)  }
0x34: {  	[tilespmem:s1], [sflag:$0x1] =	stream.linear.gather [hbm4b:s0+s2], $0x80, $0x38;
	[tilespmem:$0x10200] =	vst v63  }
0x35: {  	s0 =	sadd.s32 s3, s6;
	s1 =	sand.u32 $0x1FFFFFF0, s8;
	s6 =	spop (v2sf)  }
0x36: {  	[tilespmem:s26], [sflag:$0x1] =	stream.linear.gather [hbm4b:s0+s2], $0x80, $0x38;
	[tilespmem:$0x10200] =	vst v63  }
0x37: {  	s0 =	sadd.s32 s3, s7;
	s6 =	sand.u32 $0x1FFFFFF0, s6;
	s7 =	spop (v2sf)  }
0x38: {  	[tilespmem:s25], [sflag:$0x1] =	stream.linear.gather [hbm4b:s0+s2], $0x80, $0x38;
	[tilespmem:$0x10200] =	vst v63  }
0x39: {  	s0 =	sadd.s32 s3, s1;
	s1 =	sand.u32 $0x1FFFFFF0, s7;
	s7 =	spop (v2sf)  }
0x3a: {  	[tilespmem:s28], [sflag:$0x1] =	stream.linear.gather [hbm4b:s0+s2], $0x80, $0x38;
	[tilespmem:$0x10200] =	vst v63  }
0x3b: {  	s0 =	sadd.s32 s3, s6;
	s6 =	sand.u32 $0x1FFFFFF0, s7;
	s7 =	spop (v2sf)  }
0x3c: {  	[tilespmem:s24], [sflag:$0x1] =	stream.linear.gather [hbm4b:s0+s2], $0x80, $0x38;
	[tilespmem:$0x10200] =	vst v63  }
0x3d: {  	s0 =	sadd.s32 s3, s1;
	s1 =	sand.u32 $0x1FFFFFF0, s7;
	s7 =	spop (v2sf)  }
0x3e: {  	[tilespmem:s23], [sflag:$0x1] =	stream.linear.gather [hbm4b:s0+s2], $0x80, $0x38;
	[tilespmem:$0x10200] =	vst v63  }
0x3f: {  	s0 =	sadd.s32 s3, s6;
	s6 =	sand.u32 $0x1FFFFFF0, s7;
	s7 =	spop (v2sf)  }
0x40: {  	[tilespmem:s21], [sflag:$0x1] =	stream.linear.gather [hbm4b:s0+s2], $0x80, $0x38;
	[tilespmem:$0x10200] =	vst v63  }
0x41: {  	s0 =	sadd.s32 s3, s1;
	s1 =	sand.u32 $0x1FFFFFF0, s7  }
0x42: {  	[tilespmem:s22], [sflag:$0x1] =	stream.linear.gather [hbm4b:s0+s2], $0x80, $0x38;
	[tilespmem:$0x10200] =	vst v63  }
0x43: {  	s6 =	sadd.s32 s3, s6;
	s0 =	sadd.s32 $0x900, s17  }
0x44: {  	[tilespmem:s0], [sflag:$0x1] =	stream.linear.gather [hbm4b:s6+s2], $0x80, $0x38;
	[tilespmem:$0x10200] =	vst v63  }
0x45: {  	s1 =	sadd.s32 s3, s1;
	s0 =	sadd.s32 $0x980, s17  }
0x46: {  	[tilespmem:s0], [sflag:$0x1] =	stream.linear.gather [hbm4b:s1+s2], $0x80, $0x38;
	[tilespmem:$0x10200] =	vst v63  }
0x47: {  	v0 =	vld [tilespmem:s19+$0x0];
	_ =	sdelay $0x4  }
0x48: {  	v0 =	vshll.u32 v0, $0x4  }
0x49: {  	(v2sf) =	vpush v0, $0x0  }
0x4a: {  	(v2sf) =	vpush v0, $0x1  }
0x4b: {  	(v2sf) =	vpush v0, $0x2;
	_ =	sdelay $0x1  }
0x4c: {  	(v2sf) =	vpush v0, $0x4  }
.Ltmp0:
0x4d: {  	(pc) =	sbr.rel @p0 .LBB2_2-.Ltmp0, $3  }
0x4e: {  	(v2sf) =	vpush v0, $0x3  }
0x4f: {  	(v2sf) =	vpush v0, $0x5;
	_ =	sdelay $0x1  }
0x50: {  	s17 =	sshra.s32 s20, $0x2;
	(v2sf) =	vpush v0, $0x6  }
0x51: {  	_ =	sdelay $0x1  }
0x52: {  	s0 =	sadd.s32 $0x280, s17;
	s20 =	sadd.s32 $0x780, s17  }
0x53: {  	s1 =	sadd.s32 $0x580, s17;
	s18 =	sadd.s32 $0x800, s17;
	(v2sf) =	vpush v0, $0x7;
	s6 =	sadd.s32 $0x480, s17  }
0x54: {  	s7 =	sadd.s32 $0x600, s17;
	s19 =	sadd.s32 $0x880, s17;
	s8 =	sadd.s32 $0x200, s17  }
0x55: {  	s9 =	sadd.s32 $0x400, s17;
	s21 =	sadd.s32 $0x500, s17;
	(v2sf) =	vpush v0, $0x8;
	s22 =	spop (v2sf)  }
0x56: {  	s23 =	sadd.s32 $0x300, s17;
	s22 =	sand.u32 $0x1FFFFFF0, s22;
	s24 =	spop (v2sf)  }
0x57: {  	(v2sf) =	vpush v0, $0x9;
	s22 =	sadd.s32 s3, s22;
	s24 =	sand.u32 $0x1FFFFFF0, s24;
	s25 =	spop (v2sf)  }
0x58: {  	[tilespmem:s8], [sflag:$0x1] =	stream.linear.gather [hbm4b:s22+s2], $0x80, $0x38;
	[tilespmem:$0x10200] =	vst v63  }
0x59: {  	s26 =	sadd.s32 $0x380, s17;
	(v2sf) =	vpush v0, $0xA;
	s30 =	sadd.s32 s3, s24;
	s31 =	spop (v2sf)  }
0x5a: {  	[tilespmem:s0], [sflag:$0x1] =	stream.linear.gather [hbm4b:s30+s2], $0x80, $0x38;
	[tilespmem:$0x10200] =	vst v63  }
0x5b: {  	s8 =	sadd.s32 $0x700, s17;
	s28 =	sand.u32 $0x1FFFFFF0, s25;
	(v2sf) =	vpush v0, $0xB;
	s29 =	spop (v2sf)  }
0x5c: {  	s22 =	sadd.s32 s3, s28;
	s0 =	sadd.s32 $0x680, s17;
	s25 =	sand.u32 $0x1FFFFFF0, s29  }
0x5d: {  	(v2sf) =	vpush v0, $0xC;
	[tilespmem:s23], [sflag:$0x1] =	stream.linear.gather [hbm4b:s22+s2], $0x80, $0x38;
	[tilespmem:$0x10200] =	vst v63  }
0x5e: {  	s30 =	sand.u32 $0x1FFFFFF0, s31;
	s31 =	spop (v2sf);
	s28 =	sadd.s32 s3, s25  }
0x5f: {  	(v2sf) =	vpush v0, $0xD;
	[tilespmem:s26], [sflag:$0x1] =	stream.linear.gather [hbm4b:s28+s2], $0x80, $0x38;
	[tilespmem:$0x10200] =	vst v63  }
0x60: {  	s22 =	sadd.s32 s3, s30;
	s23 =	sand.u32 $0x1FFFFFF0, s31;
	s29 =	spop (v2sf)  }
0x61: {  	(v2sf) =	vpush v0, $0xE;
	[tilespmem:s9], [sflag:$0x1] =	stream.linear.gather [hbm4b:s22+s2], $0x80, $0x38;
	[tilespmem:$0x10200] =	vst v63  }
0x62: {  	s23 =	sadd.s32 s3, s23;
	s30 =	sand.u32 $0x1FFFFFF0, s29;
	s31 =	spop (v2sf)  }
0x63: {  	(v2sf) =	vpush v0, $0xF;
	[tilespmem:s6], [sflag:$0x1] =	stream.linear.gather [hbm4b:s23+s2], $0x80, $0x38;
	[tilespmem:$0x10200] =	vst v63  }
0x64: {  	s24 =	sand.u32 $0x1FFFFFF0, s31;
	s25 =	spop (v2sf);
	s9 =	sadd.s32 s3, s30  }
0x65: {  	[tilespmem:s21], [sflag:$0x1] =	stream.linear.gather [hbm4b:s9+s2], $0x80, $0x38;
	[tilespmem:$0x10200] =	vst v63  }
0x66: {  	s26 =	sand.u32 $0x1FFFFFF0, s25;
	s6 =	sadd.s32 s3, s24;
	s28 =	spop (v2sf)  }
0x67: {  	[tilespmem:s1], [sflag:$0x1] =	stream.linear.gather [hbm4b:s6+s2], $0x80, $0x38;
	[tilespmem:$0x10200] =	vst v63  }
0x68: {  	s9 =	sadd.s32 s3, s26;
	s29 =	sand.u32 $0x1FFFFFF0, s28;
	s30 =	spop (v2sf)  }
0x69: {  	[tilespmem:s7], [sflag:$0x1] =	stream.linear.gather [hbm4b:s9+s2], $0x80, $0x38;
	[tilespmem:$0x10200] =	vst v63  }
0x6a: {  	s6 =	sand.u32 $0x1FFFFFF0, s30;
	s1 =	sadd.s32 s3, s29;
	s31 =	spop (v2sf)  }
0x6b: {  	[tilespmem:s0], [sflag:$0x1] =	stream.linear.gather [hbm4b:s1+s2], $0x80, $0x38;
	[tilespmem:$0x10200] =	vst v63  }
0x6c: {  	s6 =	sadd.s32 s3, s6;
	s7 =	sand.u32 $0x1FFFFFF0, s31;
	s9 =	spop (v2sf)  }
0x6d: {  	[tilespmem:s8], [sflag:$0x1] =	stream.linear.gather [hbm4b:s6+s2], $0x80, $0x38;
	[tilespmem:$0x10200] =	vst v63  }
0x6e: {  	s0 =	sadd.s32 s3, s7;
	s1 =	sand.u32 $0x1FFFFFF0, s9;
	s21 =	spop (v2sf)  }
0x6f: {  	[tilespmem:s20], [sflag:$0x1] =	stream.linear.gather [hbm4b:s0+s2], $0x80, $0x38;
	[tilespmem:$0x10200] =	vst v63  }
0x70: {  	s22 =	sand.u32 $0x1FFFFFF0, s21;
	s1 =	sadd.s32 s3, s1;
	s23 =	spop (v2sf)  }
0x71: {  	[tilespmem:s18], [sflag:$0x1] =	stream.linear.gather [hbm4b:s1+s2], $0x80, $0x38;
	[tilespmem:$0x10200] =	vst v63  }
0x72: {  	s24 =	sand.u32 $0x1FFFFFF0, s23;
	s25 =	spop (v2sf);
	s0 =	sadd.s32 s3, s22  }
0x73: {  	[tilespmem:s19], [sflag:$0x1] =	stream.linear.gather [hbm4b:s0+s2], $0x80, $0x38;
	[tilespmem:$0x10200] =	vst v63  }
0x74: {  	s28 =	sadd.s32 $0x900, s17;
	s26 =	sand.u32 $0x1FFFFFF0, s25;
	s1 =	sadd.s32 s3, s24  }
0x75: {  	[tilespmem:s28], [sflag:$0x1] =	stream.linear.gather [hbm4b:s1+s2], $0x80, $0x38;
	[tilespmem:$0x10200] =	vst v63  }
0x76: {  	s29 =	sadd.s32 $0x980, s17;
	s0 =	sadd.s32 s3, s26  }
0x77: {  	[tilespmem:s29], [sflag:$0x1] =	stream.linear.gather [hbm4b:s0+s2], $0x80, $0x38;
	[tilespmem:$0x10200] =	vst v63  }
0x78: {  	_ =	swait.ge [sflag:s14], $0x10000  }
0x79: {  	[sflag:s14] =	ssyncset.done $0x0  }
0x7a: {  	s18 =	simm.s32 $0x0;
	s30 =	rddreg [dreg:$0x6];
	[sflag:s14] =	ssyncadd.s32 $0xFFFF0000  }
0x7b: {  	[hbm4b:s30+s18] =	stream.linear.scatter [tilespmem:s15], [sflag:$0x2], $0x10000, $0x38;
	[tilespmem:$0x10200] =	vst v63  }
0x7c: {  	_ =	swait.ge [sflag:s13], $0x10000  }
0x7d: {  	[sflag:s13] =	ssyncset.done $0x0  }
0x7e: {  	s31 =	rddreg [dreg:$0x7];
	[sflag:s13] =	ssyncadd.s32 $0xFFFF0000  }
0x7f: {  	[tilespmem:s18], [sflag:$0x2] =	stream.linear.gather [hbm4b:s31+s18], $0x200, $0x38;
	[tilespmem:$0x10200] =	vst v63  }
0x80: {  	_ =	swait.ge [sflag:s13], $0x200  }
0x81: {  	[sflag:s13] =	ssyncset.done $0x0  }
0x82: {  	[sflag:s13] =	ssyncadd.s32 $0xFFFFFE00  }
0x83: {  	v0 =	vld [tilespmem:s18+$0x0];
	_ =	sdelay $0x4  }
0x84: {  	v0 =	vshll.u32 v0, $0x4  }
0x85: {  	(v2sf) =	vpush v0, $0x0  }
0x86: {  	(v2sf) =	vpush v0, $0x1  }
0x87: {  	(v2sf) =	vpush v0, $0x2;
	_ =	sdelay $0x1  }
0x88: {  	(v2sf) =	vpush v0, $0x4;
	_ =	sdelay $0x1  }
0x89: {  	(v2sf) =	vpush v0, $0x3  }
0x8a: {  	(v2sf) =	vpush v0, $0x5  }
0x8b: {  	s17 =	simm.s32 $0x0;
	s19 =	simm.s32 $0x2000;
	(v2sf) =	vpush v0, $0x6  }
.LBB2_4:
0x8c: {  	p0 =	sne.s32 s19, $0x3E000  }
0x8d: {  	s0 =	sadd.s32 $0x280, s17;
	s23 =	sadd.s32 $0x780, s17;
	s20 =	smov.u32 s19  }
0x8e: {  	s19 =	sadd.s32 $0x2000, s19;
	s26 =	sadd.s32 $0x580, s17;
	s21 =	sadd.s32 $0x800, s17;
	(v2sf) =	vpush v0, $0x7  }
0x8f: {  	s29 =	sadd.s32 $0x480, s17;
	s25 =	sadd.s32 $0x600, s17;
	s22 =	sadd.s32 $0x880, s17  }
0x90: {  	s1 =	sadd.s32 $0x200, s17;
	s6 =	sadd.s32 $0x400, s17;
	(v2sf) =	vpush v0, $0x8  }
0x91: {  	s7 =	sadd.s32 $0x500, s17;
	s18 =	sadd.s32 $0x10, s18  }
0x92: {  	s8 =	sadd.s32 $0x300, s17;
	s24 =	sadd.s32 $0x700, s17;
	s9 =	spop (v2sf);
	(v2sf) =	vpush v0, $0x9  }
0x93: {  	s28 =	sadd.s32 $0x680, s17;
	s9 =	sand.u32 $0x1FFFFFF0, s9;
	s30 =	spop (v2sf)  }
0x94: {  	s9 =	sadd.s32 s4, s9;
	s30 =	sand.u32 $0x1FFFFFF0, s30;
	s31 =	spop (v2sf);
	(v2sf) =	vpush v0, $0xA  }
0x95: {  	[tilespmem:s1], [sflag:$0x1] =	stream.linear.gather [hbm4b:s9+s2], $0x80, $0x38;
	[tilespmem:$0x10200] =	vst v63  }
0x96: {  	s1 =	sadd.s32 s4, s30;
	s9 =	sadd.s32 $0x380, s17;
	s30 =	spop (v2sf);
	(v2sf) =	vpush v0, $0xB  }
0x97: {  	[tilespmem:s0], [sflag:$0x1] =	stream.linear.gather [hbm4b:s1+s2], $0x80, $0x38;
	[tilespmem:$0x10200] =	vst v63  }
0x98: {  	s0 =	sand.u32 $0x1FFFFFF0, s31;
	s1 =	sand.u32 $0x1FFFFFF0, s30;
	s30 =	spop (v2sf);
	(v2sf) =	vpush v0, $0xC  }
0x99: {  	s0 =	sadd.s32 s4, s0;
	s30 =	sand.u32 $0x1FFFFFF0, s30;
	s31 =	spop (v2sf)  }
0x9a: {  	[tilespmem:s8], [sflag:$0x1] =	stream.linear.gather [hbm4b:s0+s2], $0x80, $0x38;
	(v2sf) =	vpush v0, $0xD;
	[tilespmem:$0x10200] =	vst v63  }
0x9b: {  	s0 =	sadd.s32 s4, s30;
	s8 =	sand.u32 $0x1FFFFFF0, s31;
	s30 =	spop (v2sf)  }
0x9c: {  	[tilespmem:s9], [sflag:$0x1] =	stream.linear.gather [hbm4b:s0+s2], $0x80, $0x38;
	(v2sf) =	vpush v0, $0xE;
	[tilespmem:$0x10200] =	vst v63  }
0x9d: {  	s0 =	sadd.s32 s4, s1;
	s1 =	sand.u32 $0x1FFFFFF0, s30;
	s9 =	spop (v2sf)  }
0x9e: {  	[tilespmem:s6], [sflag:$0x1] =	stream.linear.gather [hbm4b:s0+s2], $0x80, $0x38;
	(v2sf) =	vpush v0, $0xF;
	[tilespmem:$0x10200] =	vst v63  }
0x9f: {  	s0 =	sadd.s32 s4, s8;
	s6 =	sand.u32 $0x1FFFFFF0, s9;
	s8 =	spop (v2sf)  }
0xa0: {  	[tilespmem:s29], [sflag:$0x1] =	stream.linear.gather [hbm4b:s0+s2], $0x80, $0x38;
	[tilespmem:$0x10200] =	vst v63  }
0xa1: {  	s0 =	sadd.s32 s4, s1;
	s1 =	sand.u32 $0x1FFFFFF0, s8;
	s8 =	spop (v2sf)  }
0xa2: {  	[tilespmem:s7], [sflag:$0x1] =	stream.linear.gather [hbm4b:s0+s2], $0x80, $0x38;
	[tilespmem:$0x10200] =	vst v63  }
0xa3: {  	s0 =	sadd.s32 s4, s6;
	s6 =	sand.u32 $0x1FFFFFF0, s8;
	s7 =	spop (v2sf)  }
0xa4: {  	[tilespmem:s26], [sflag:$0x1] =	stream.linear.gather [hbm4b:s0+s2], $0x80, $0x38;
	[tilespmem:$0x10200] =	vst v63  }
0xa5: {  	s0 =	sadd.s32 s4, s1;
	s1 =	sand.u32 $0x1FFFFFF0, s7;
	s7 =	spop (v2sf)  }
0xa6: {  	[tilespmem:s25], [sflag:$0x1] =	stream.linear.gather [hbm4b:s0+s2], $0x80, $0x38;
	[tilespmem:$0x10200] =	vst v63  }
0xa7: {  	s0 =	sadd.s32 s4, s6;
	s6 =	sand.u32 $0x1FFFFFF0, s7;
	s7 =	spop (v2sf)  }
0xa8: {  	[tilespmem:s28], [sflag:$0x1] =	stream.linear.gather [hbm4b:s0+s2], $0x80, $0x38;
	[tilespmem:$0x10200] =	vst v63  }
0xa9: {  	s0 =	sadd.s32 s4, s1;
	s1 =	sand.u32 $0x1FFFFFF0, s7;
	s7 =	spop (v2sf)  }
0xaa: {  	[tilespmem:s24], [sflag:$0x1] =	stream.linear.gather [hbm4b:s0+s2], $0x80, $0x38;
	[tilespmem:$0x10200] =	vst v63  }
0xab: {  	s0 =	sadd.s32 s4, s6;
	s6 =	sand.u32 $0x1FFFFFF0, s7;
	s7 =	spop (v2sf)  }
0xac: {  	[tilespmem:s23], [sflag:$0x1] =	stream.linear.gather [hbm4b:s0+s2], $0x80, $0x38;
	[tilespmem:$0x10200] =	vst v63  }
0xad: {  	s0 =	sadd.s32 s4, s1;
	s1 =	sand.u32 $0x1FFFFFF0, s7;
	s7 =	spop (v2sf)  }
0xae: {  	[tilespmem:s21], [sflag:$0x1] =	stream.linear.gather [hbm4b:s0+s2], $0x80, $0x38;
	[tilespmem:$0x10200] =	vst v63  }
0xaf: {  	s0 =	sadd.s32 s4, s6;
	s6 =	sand.u32 $0x1FFFFFF0, s7  }
0xb0: {  	[tilespmem:s22], [sflag:$0x1] =	stream.linear.gather [hbm4b:s0+s2], $0x80, $0x38;
	[tilespmem:$0x10200] =	vst v63  }
0xb1: {  	s1 =	sadd.s32 s4, s1;
	s0 =	sadd.s32 $0x900, s17  }
0xb2: {  	[tilespmem:s0], [sflag:$0x1] =	stream.linear.gather [hbm4b:s1+s2], $0x80, $0x38;
	[tilespmem:$0x10200] =	vst v63  }
0xb3: {  	s0 =	sadd.s32 $0x980, s17;
	s1 =	sadd.s32 s4, s6  }
0xb4: {  	[tilespmem:s0], [sflag:$0x1] =	stream.linear.gather [hbm4b:s1+s2], $0x80, $0x38;
	[tilespmem:$0x10200] =	vst v63  }
0xb5: {  	v0 =	vld [tilespmem:s18+$0x0];
	_ =	sdelay $0x4  }
0xb6: {  	v0 =	vshll.u32 v0, $0x4  }
0xb7: {  	(v2sf) =	vpush v0, $0x0  }
0xb8: {  	(v2sf) =	vpush v0, $0x1  }
0xb9: {  	(v2sf) =	vpush v0, $0x2;
	_ =	sdelay $0x1  }
0xba: {  	(v2sf) =	vpush v0, $0x4  }
.Ltmp1:
0xbb: {  	(pc) =	sbr.rel @p0 .LBB2_4-.Ltmp1, $3  }
0xbc: {  	(v2sf) =	vpush v0, $0x3  }
0xbd: {  	(v2sf) =	vpush v0, $0x5;
	_ =	sdelay $0x1  }
0xbe: {  	s17 =	sshra.s32 s20, $0x2;
	(v2sf) =	vpush v0, $0x6  }
0xbf: {  	_ =	sdelay $0x1  }
0xc0: {  	s0 =	sadd.s32 $0x280, s17;
	s20 =	sadd.s32 $0x780, s17  }
0xc1: {  	s1 =	sadd.s32 $0x580, s17;
	s18 =	sadd.s32 $0x800, s17;
	(v2sf) =	vpush v0, $0x7;
	s6 =	sadd.s32 $0x480, s17  }
0xc2: {  	s7 =	sadd.s32 $0x600, s17;
	s19 =	sadd.s32 $0x880, s17;
	s8 =	sadd.s32 $0x200, s17  }
0xc3: {  	s9 =	sadd.s32 $0x400, s17;
	s21 =	sadd.s32 $0x500, s17;
	(v2sf) =	vpush v0, $0x8;
	s22 =	spop (v2sf)  }
0xc4: {  	s23 =	sadd.s32 $0x300, s17;
	s22 =	sand.u32 $0x1FFFFFF0, s22;
	s24 =	spop (v2sf)  }
0xc5: {  	(v2sf) =	vpush v0, $0x9;
	s22 =	sadd.s32 s4, s22;
	s24 =	sand.u32 $0x1FFFFFF0, s24;
	s25 =	spop (v2sf)  }
0xc6: {  	[tilespmem:s8], [sflag:$0x1] =	stream.linear.gather [hbm4b:s22+s2], $0x80, $0x38;
	[tilespmem:$0x10200] =	vst v63  }
0xc7: {  	s26 =	sadd.s32 $0x380, s17;
	(v2sf) =	vpush v0, $0xA;
	s30 =	sadd.s32 s4, s24;
	s31 =	spop (v2sf)  }
0xc8: {  	[tilespmem:s0], [sflag:$0x1] =	stream.linear.gather [hbm4b:s30+s2], $0x80, $0x38;
	[tilespmem:$0x10200] =	vst v63  }
0xc9: {  	s8 =	sadd.s32 $0x700, s17;
	s28 =	sand.u32 $0x1FFFFFF0, s25;
	(v2sf) =	vpush v0, $0xB;
	s29 =	spop (v2sf)  }
0xca: {  	s22 =	sadd.s32 s4, s28;
	s0 =	sadd.s32 $0x680, s17;
	s25 =	sand.u32 $0x1FFFFFF0, s29  }
0xcb: {  	(v2sf) =	vpush v0, $0xC;
	[tilespmem:s23], [sflag:$0x1] =	stream.linear.gather [hbm4b:s22+s2], $0x80, $0x38;
	[tilespmem:$0x10200] =	vst v63  }
0xcc: {  	s30 =	sand.u32 $0x1FFFFFF0, s31;
	s31 =	spop (v2sf);
	s28 =	sadd.s32 s4, s25  }
0xcd: {  	(v2sf) =	vpush v0, $0xD;
	[tilespmem:s26], [sflag:$0x1] =	stream.linear.gather [hbm4b:s28+s2], $0x80, $0x38;
	[tilespmem:$0x10200] =	vst v63  }
0xce: {  	s22 =	sadd.s32 s4, s30;
	s23 =	sand.u32 $0x1FFFFFF0, s31;
	s29 =	spop (v2sf)  }
0xcf: {  	(v2sf) =	vpush v0, $0xE;
	[tilespmem:s9], [sflag:$0x1] =	stream.linear.gather [hbm4b:s22+s2], $0x80, $0x38;
	[tilespmem:$0x10200] =	vst v63  }
0xd0: {  	s23 =	sadd.s32 s4, s23;
	s30 =	sand.u32 $0x1FFFFFF0, s29;
	s31 =	spop (v2sf)  }
0xd1: {  	(v2sf) =	vpush v0, $0xF;
	[tilespmem:s6], [sflag:$0x1] =	stream.linear.gather [hbm4b:s23+s2], $0x80, $0x38;
	[tilespmem:$0x10200] =	vst v63  }
0xd2: {  	s24 =	sand.u32 $0x1FFFFFF0, s31;
	s25 =	spop (v2sf);
	s9 =	sadd.s32 s4, s30  }
0xd3: {  	[tilespmem:s21], [sflag:$0x1] =	stream.linear.gather [hbm4b:s9+s2], $0x80, $0x38;
	[tilespmem:$0x10200] =	vst v63  }
0xd4: {  	s26 =	sand.u32 $0x1FFFFFF0, s25;
	s6 =	sadd.s32 s4, s24;
	s28 =	spop (v2sf)  }
0xd5: {  	[tilespmem:s1], [sflag:$0x1] =	stream.linear.gather [hbm4b:s6+s2], $0x80, $0x38;
	[tilespmem:$0x10200] =	vst v63  }
0xd6: {  	s9 =	sadd.s32 s4, s26;
	s29 =	sand.u32 $0x1FFFFFF0, s28;
	s30 =	spop (v2sf)  }
0xd7: {  	[tilespmem:s7], [sflag:$0x1] =	stream.linear.gather [hbm4b:s9+s2], $0x80, $0x38;
	[tilespmem:$0x10200] =	vst v63  }
0xd8: {  	s6 =	sand.u32 $0x1FFFFFF0, s30;
	s1 =	sadd.s32 s4, s29;
	s31 =	spop (v2sf)  }
0xd9: {  	[tilespmem:s0], [sflag:$0x1] =	stream.linear.gather [hbm4b:s1+s2], $0x80, $0x38;
	[tilespmem:$0x10200] =	vst v63  }
0xda: {  	s6 =	sadd.s32 s4, s6;
	s9 =	sand.u32 $0x1FFFFFF0, s31;
	s21 =	spop (v2sf)  }
0xdb: {  	[tilespmem:s8], [sflag:$0x1] =	stream.linear.gather [hbm4b:s6+s2], $0x80, $0x38;
	[tilespmem:$0x10200] =	vst v63  }
0xdc: {  	s0 =	sadd.s32 s4, s9;
	s1 =	sand.u32 $0x1FFFFFF0, s21;
	s22 =	spop (v2sf)  }
0xdd: {  	[tilespmem:s20], [sflag:$0x1] =	stream.linear.gather [hbm4b:s0+s2], $0x80, $0x38;
	[tilespmem:$0x10200] =	vst v63  }
0xde: {  	s23 =	sand.u32 $0x1FFFFFF0, s22;
	s1 =	sadd.s32 s4, s1;
	s24 =	spop (v2sf)  }
0xdf: {  	[tilespmem:s18], [sflag:$0x1] =	stream.linear.gather [hbm4b:s1+s2], $0x80, $0x38;
	[tilespmem:$0x10200] =	vst v63  }
0xe0: {  	s25 =	sand.u32 $0x1FFFFFF0, s24;
	s26 =	spop (v2sf);
	s0 =	sadd.s32 s4, s23  }
0xe1: {  	[tilespmem:s19], [sflag:$0x1] =	stream.linear.gather [hbm4b:s0+s2], $0x80, $0x38;
	[tilespmem:$0x10200] =	vst v63  }
0xe2: {  	s29 =	sadd.s32 $0x900, s17;
	s28 =	sand.u32 $0x1FFFFFF0, s26;
	s1 =	sadd.s32 s4, s25  }
0xe3: {  	[tilespmem:s29], [sflag:$0x1] =	stream.linear.gather [hbm4b:s1+s2], $0x80, $0x38;
	[tilespmem:$0x10200] =	vst v63  }
0xe4: {  	s30 =	sadd.s32 $0x980, s17;
	s0 =	sadd.s32 s4, s28  }
0xe5: {  	[tilespmem:s30], [sflag:$0x1] =	stream.linear.gather [hbm4b:s0+s2], $0x80, $0x38;
	[tilespmem:$0x10200] =	vst v63  }
0xe6: {  	_ =	swait.ge [sflag:s14], $0x10000  }
0xe7: {  	[sflag:s14] =	ssyncset.done $0x0  }
0xe8: {  	s18 =	simm.s32 $0x0;
	s31 =	rddreg [dreg:$0x8];
	[sflag:s14] =	ssyncadd.s32 $0xFFFF0000  }
0xe9: {  	[hbm4b:s31+s18] =	stream.linear.scatter [tilespmem:s15], [sflag:$0x2], $0x10000, $0x38;
	[tilespmem:$0x10200] =	vst v63  }
0xea: {  	_ =	swait.ge [sflag:s13], $0x10000  }
0xeb: {  	[sflag:s13] =	ssyncset.done $0x0  }
0xec: {  	[sflag:s13] =	ssyncadd.s32 $0xFFFF0000  }
0xed: {  	[tilespmem:s18], [sflag:$0x2] =	stream.linear.gather [hbm4b:s10+s18], $0x200, $0x38;
	[tilespmem:$0x10200] =	vst v63  }
0xee: {  	_ =	swait.ge [sflag:s13], $0x200  }
0xef: {  	[sflag:s13] =	ssyncset.done $0x0  }
0xf0: {  	[sflag:s13] =	ssyncadd.s32 $0xFFFFFE00  }
0xf1: {  	v0 =	vld [tilespmem:s18+$0x0];
	_ =	sdelay $0x4  }
0xf2: {  	v0 =	vshll.u32 v0, $0x4  }
0xf3: {  	(v2sf) =	vpush v0, $0x0  }
0xf4: {  	(v2sf) =	vpush v0, $0x1  }
0xf5: {  	(v2sf) =	vpush v0, $0x2;
	_ =	sdelay $0x1  }
0xf6: {  	(v2sf) =	vpush v0, $0x4;
	_ =	sdelay $0x1  }
0xf7: {  	(v2sf) =	vpush v0, $0x3  }
0xf8: {  	(v2sf) =	vpush v0, $0x5  }
0xf9: {  	s17 =	simm.s32 $0x0;
	s19 =	simm.s32 $0x2000;
	(v2sf) =	vpush v0, $0x6  }
.LBB2_6:
0xfa: {  	p0 =	sne.s32 s19, $0x3E000  }
0xfb: {  	s0 =	sadd.s32 $0x280, s17;
	s23 =	sadd.s32 $0x780, s17;
	s20 =	smov.u32 s19  }
0xfc: {  	s19 =	sadd.s32 $0x2000, s19;
	s26 =	sadd.s32 $0x580, s17;
	s21 =	sadd.s32 $0x800, s17;
	(v2sf) =	vpush v0, $0x7  }
0xfd: {  	s29 =	sadd.s32 $0x480, s17;
	s25 =	sadd.s32 $0x600, s17;
	s22 =	sadd.s32 $0x880, s17  }
0xfe: {  	s1 =	sadd.s32 $0x200, s17;
	s6 =	sadd.s32 $0x400, s17;
	(v2sf) =	vpush v0, $0x8  }
0xff: {  	s7 =	sadd.s32 $0x500, s17;
	s18 =	sadd.s32 $0x10, s18  }
0x100: {  	s8 =	sadd.s32 $0x300, s17;
	s24 =	sadd.s32 $0x700, s17;
	s9 =	spop (v2sf);
	(v2sf) =	vpush v0, $0x9  }
0x101: {  	s28 =	sadd.s32 $0x680, s17;
	s9 =	sand.u32 $0x1FFFFFF0, s9;
	s30 =	spop (v2sf)  }
0x102: {  	s9 =	sadd.s32 s5, s9;
	s30 =	sand.u32 $0x1FFFFFF0, s30;
	s31 =	spop (v2sf);
	(v2sf) =	vpush v0, $0xA  }
0x103: {  	[tilespmem:s1], [sflag:$0x1] =	stream.linear.gather [hbm4b:s9+s2], $0x80, $0x38;
	[tilespmem:$0x10200] =	vst v63  }
0x104: {  	s1 =	sadd.s32 s5, s30;
	s9 =	sadd.s32 $0x380, s17;
	s30 =	spop (v2sf);
	(v2sf) =	vpush v0, $0xB  }
0x105: {  	[tilespmem:s0], [sflag:$0x1] =	stream.linear.gather [hbm4b:s1+s2], $0x80, $0x38;
	[tilespmem:$0x10200] =	vst v63  }
0x106: {  	s0 =	sand.u32 $0x1FFFFFF0, s31;
	s1 =	sand.u32 $0x1FFFFFF0, s30;
	s30 =	spop (v2sf);
	(v2sf) =	vpush v0, $0xC  }
0x107: {  	s0 =	sadd.s32 s5, s0;
	s30 =	sand.u32 $0x1FFFFFF0, s30;
	s31 =	spop (v2sf)  }
0x108: {  	[tilespmem:s8], [sflag:$0x1] =	stream.linear.gather [hbm4b:s0+s2], $0x80, $0x38;
	(v2sf) =	vpush v0, $0xD;
	[tilespmem:$0x10200] =	vst v63  }
0x109: {  	s0 =	sadd.s32 s5, s30;
	s8 =	sand.u32 $0x1FFFFFF0, s31;
	s30 =	spop (v2sf)  }
0x10a: {  	[tilespmem:s9], [sflag:$0x1] =	stream.linear.gather [hbm4b:s0+s2], $0x80, $0x38;
	(v2sf) =	vpush v0, $0xE;
	[tilespmem:$0x10200] =	vst v63  }
0x10b: {  	s0 =	sadd.s32 s5, s1;
	s1 =	sand.u32 $0x1FFFFFF0, s30;
	s9 =	spop (v2sf)  }
0x10c: {  	[tilespmem:s6], [sflag:$0x1] =	stream.linear.gather [hbm4b:s0+s2], $0x80, $0x38;
	(v2sf) =	vpush v0, $0xF;
	[tilespmem:$0x10200] =	vst v63  }
0x10d: {  	s0 =	sadd.s32 s5, s8;
	s6 =	sand.u32 $0x1FFFFFF0, s9;
	s8 =	spop (v2sf)  }
0x10e: {  	[tilespmem:s29], [sflag:$0x1] =	stream.linear.gather [hbm4b:s0+s2], $0x80, $0x38;
	[tilespmem:$0x10200] =	vst v63  }
0x10f: {  	s0 =	sadd.s32 s5, s1;
	s1 =	sand.u32 $0x1FFFFFF0, s8;
	s8 =	spop (v2sf)  }
0x110: {  	[tilespmem:s7], [sflag:$0x1] =	stream.linear.gather [hbm4b:s0+s2], $0x80, $0x38;
	[tilespmem:$0x10200] =	vst v63  }
0x111: {  	s0 =	sadd.s32 s5, s6;
	s6 =	sand.u32 $0x1FFFFFF0, s8;
	s7 =	spop (v2sf)  }
0x112: {  	[tilespmem:s26], [sflag:$0x1] =	stream.linear.gather [hbm4b:s0+s2], $0x80, $0x38;
	[tilespmem:$0x10200] =	vst v63  }
0x113: {  	s0 =	sadd.s32 s5, s1;
	s1 =	sand.u32 $0x1FFFFFF0, s7;
	s7 =	spop (v2sf)  }
0x114: {  	[tilespmem:s25], [sflag:$0x1] =	stream.linear.gather [hbm4b:s0+s2], $0x80, $0x38;
	[tilespmem:$0x10200] =	vst v63  }
0x115: {  	s0 =	sadd.s32 s5, s6;
	s6 =	sand.u32 $0x1FFFFFF0, s7;
	s7 =	spop (v2sf)  }
0x116: {  	[tilespmem:s28], [sflag:$0x1] =	stream.linear.gather [hbm4b:s0+s2], $0x80, $0x38;
	[tilespmem:$0x10200] =	vst v63  }
0x117: {  	s0 =	sadd.s32 s5, s1;
	s1 =	sand.u32 $0x1FFFFFF0, s7;
	s7 =	spop (v2sf)  }
0x118: {  	[tilespmem:s24], [sflag:$0x1] =	stream.linear.gather [hbm4b:s0+s2], $0x80, $0x38;
	[tilespmem:$0x10200] =	vst v63  }
0x119: {  	s0 =	sadd.s32 s5, s6;
	s6 =	sand.u32 $0x1FFFFFF0, s7;
	s7 =	spop (v2sf)  }
0x11a: {  	[tilespmem:s23], [sflag:$0x1] =	stream.linear.gather [hbm4b:s0+s2], $0x80, $0x38;
	[tilespmem:$0x10200] =	vst v63  }
0x11b: {  	s0 =	sadd.s32 s5, s1;
	s1 =	sand.u32 $0x1FFFFFF0, s7;
	s7 =	spop (v2sf)  }
0x11c: {  	[tilespmem:s21], [sflag:$0x1] =	stream.linear.gather [hbm4b:s0+s2], $0x80, $0x38;
	[tilespmem:$0x10200] =	vst v63  }
0x11d: {  	s0 =	sadd.s32 s5, s6;
	s6 =	sand.u32 $0x1FFFFFF0, s7  }
0x11e: {  	[tilespmem:s22], [sflag:$0x1] =	stream.linear.gather [hbm4b:s0+s2], $0x80, $0x38;
	[tilespmem:$0x10200] =	vst v63  }
0x11f: {  	s1 =	sadd.s32 s5, s1;
	s0 =	sadd.s32 $0x900, s17  }
0x120: {  	[tilespmem:s0], [sflag:$0x1] =	stream.linear.gather [hbm4b:s1+s2], $0x80, $0x38;
	[tilespmem:$0x10200] =	vst v63  }
0x121: {  	s0 =	sadd.s32 $0x980, s17;
	s1 =	sadd.s32 s5, s6  }
0x122: {  	[tilespmem:s0], [sflag:$0x1] =	stream.linear.gather [hbm4b:s1+s2], $0x80, $0x38;
	[tilespmem:$0x10200] =	vst v63  }
0x123: {  	v0 =	vld [tilespmem:s18+$0x0];
	_ =	sdelay $0x4  }
0x124: {  	v0 =	vshll.u32 v0, $0x4  }
0x125: {  	(v2sf) =	vpush v0, $0x0  }
0x126: {  	(v2sf) =	vpush v0, $0x1  }
0x127: {  	(v2sf) =	vpush v0, $0x2;
	_ =	sdelay $0x1  }
0x128: {  	(v2sf) =	vpush v0, $0x4  }
.Ltmp2:
0x129: {  	(pc) =	sbr.rel @p0 .LBB2_6-.Ltmp2, $3  }
0x12a: {  	(v2sf) =	vpush v0, $0x3  }
0x12b: {  	(v2sf) =	vpush v0, $0x5;
	_ =	sdelay $0x1  }
0x12c: {  	s17 =	sshra.s32 s20, $0x2;
	(v2sf) =	vpush v0, $0x6  }
0x12d: {  	_ =	sdelay $0x1  }
0x12e: {  	s0 =	sadd.s32 $0x280, s17;
	s20 =	sadd.s32 $0x780, s17  }
0x12f: {  	s1 =	sadd.s32 $0x580, s17;
	s18 =	sadd.s32 $0x800, s17;
	(v2sf) =	vpush v0, $0x7;
	s6 =	sadd.s32 $0x480, s17  }
0x130: {  	s7 =	sadd.s32 $0x600, s17;
	s19 =	sadd.s32 $0x880, s17;
	s8 =	sadd.s32 $0x200, s17  }
0x131: {  	s9 =	sadd.s32 $0x400, s17;
	s21 =	sadd.s32 $0x500, s17;
	(v2sf) =	vpush v0, $0x8;
	s22 =	spop (v2sf)  }
0x132: {  	s23 =	sadd.s32 $0x300, s17;
	s22 =	sand.u32 $0x1FFFFFF0, s22;
	s24 =	spop (v2sf)  }
0x133: {  	(v2sf) =	vpush v0, $0x9;
	s22 =	sadd.s32 s5, s22;
	s24 =	sand.u32 $0x1FFFFFF0, s24;
	s25 =	spop (v2sf)  }
0x134: {  	[tilespmem:s8], [sflag:$0x1] =	stream.linear.gather [hbm4b:s22+s2], $0x80, $0x38;
	[tilespmem:$0x10200] =	vst v63  }
0x135: {  	(v2sf) =	vpush v0, $0xA;
	s26 =	sadd.s32 s5, s24;
	s29 =	sand.u32 $0x1FFFFFF0, s25;
	s28 =	spop (v2sf)  }
0x136: {  	[tilespmem:s0], [sflag:$0x1] =	stream.linear.gather [hbm4b:s26+s2], $0x80, $0x38;
	[tilespmem:$0x10200] =	vst v63  }
0x137: {  	s8 =	sadd.s32 $0x700, s17;
	(v2sf) =	vpush v0, $0xB;
	s22 =	sadd.s32 s5, s29;
	s30 =	spop (v2sf)  }
0x138: {  	s0 =	sadd.s32 $0x680, s17;
	s26 =	sadd.s32 $0x380, s17;
	s25 =	sand.u32 $0x1FFFFFF0, s30  }
0x139: {  	(v2sf) =	vpush v0, $0xC;
	[tilespmem:s23], [sflag:$0x1] =	stream.linear.gather [hbm4b:s22+s2], $0x80, $0x38;
	[tilespmem:$0x10200] =	vst v63  }
0x13a: {  	s31 =	sand.u32 $0x1FFFFFF0, s28;
	s28 =	spop (v2sf);
	s29 =	sadd.s32 s5, s25  }
0x13b: {  	(v2sf) =	vpush v0, $0xD;
	[tilespmem:s26], [sflag:$0x1] =	stream.linear.gather [hbm4b:s29+s2], $0x80, $0x38;
	[tilespmem:$0x10200] =	vst v63  }
0x13c: {  	s22 =	sadd.s32 s5, s31;
	s23 =	sand.u32 $0x1FFFFFF0, s28;
	s30 =	spop (v2sf)  }
0x13d: {  	(v2sf) =	vpush v0, $0xE;
	[tilespmem:s9], [sflag:$0x1] =	stream.linear.gather [hbm4b:s22+s2], $0x80, $0x38;
	[tilespmem:$0x10200] =	vst v63  }
0x13e: {  	s23 =	sadd.s32 s5, s23;
	s31 =	sand.u32 $0x1FFFFFF0, s30;
	s24 =	spop (v2sf)  }
0x13f: {  	(v2sf) =	vpush v0, $0xF;
	[tilespmem:s6], [sflag:$0x1] =	stream.linear.gather [hbm4b:s23+s2], $0x80, $0x38;
	[tilespmem:$0x10200] =	vst v63  }
0x140: {  	s25 =	sand.u32 $0x1FFFFFF0, s24;
	s26 =	spop (v2sf);
	s9 =	sadd.s32 s5, s31  }
0x141: {  	[tilespmem:s21], [sflag:$0x1] =	stream.linear.gather [hbm4b:s9+s2], $0x80, $0x38;
	[tilespmem:$0x10200] =	vst v63  }
0x142: {  	s28 =	sand.u32 $0x1FFFFFF0, s26;
	s6 =	sadd.s32 s5, s25;
	s29 =	spop (v2sf)  }
0x143: {  	[tilespmem:s1], [sflag:$0x1] =	stream.linear.gather [hbm4b:s6+s2], $0x80, $0x38;
	[tilespmem:$0x10200] =	vst v63  }
0x144: {  	s9 =	sadd.s32 s5, s28;
	s30 =	sand.u32 $0x1FFFFFF0, s29;
	s31 =	spop (v2sf)  }
0x145: {  	[tilespmem:s7], [sflag:$0x1] =	stream.linear.gather [hbm4b:s9+s2], $0x80, $0x38;
	[tilespmem:$0x10200] =	vst v63  }
0x146: {  	s6 =	sand.u32 $0x1FFFFFF0, s31;
	s1 =	sadd.s32 s5, s30;
	s9 =	spop (v2sf)  }
0x147: {  	[tilespmem:s0], [sflag:$0x1] =	stream.linear.gather [hbm4b:s1+s2], $0x80, $0x38;
	[tilespmem:$0x10200] =	vst v63  }
0x148: {  	s6 =	sadd.s32 s5, s6;
	s21 =	sand.u32 $0x1FFFFFF0, s9;
	s22 =	spop (v2sf)  }
0x149: {  	[tilespmem:s8], [sflag:$0x1] =	stream.linear.gather [hbm4b:s6+s2], $0x80, $0x38;
	[tilespmem:$0x10200] =	vst v63  }
0x14a: {  	s0 =	sadd.s32 s5, s21;
	s1 =	sand.u32 $0x1FFFFFF0, s22;
	s23 =	spop (v2sf)  }
0x14b: {  	[tilespmem:s20], [sflag:$0x1] =	stream.linear.gather [hbm4b:s0+s2], $0x80, $0x38;
	[tilespmem:$0x10200] =	vst v63  }
0x14c: {  	s24 =	sand.u32 $0x1FFFFFF0, s23;
	s1 =	sadd.s32 s5, s1;
	s25 =	spop (v2sf)  }
0x14d: {  	[tilespmem:s18], [sflag:$0x1] =	stream.linear.gather [hbm4b:s1+s2], $0x80, $0x38;
	[tilespmem:$0x10200] =	vst v63  }
0x14e: {  	s26 =	sand.u32 $0x1FFFFFF0, s25;
	s28 =	spop (v2sf);
	s0 =	sadd.s32 s5, s24  }
0x14f: {  	[tilespmem:s19], [sflag:$0x1] =	stream.linear.gather [hbm4b:s0+s2], $0x80, $0x38;
	[tilespmem:$0x10200] =	vst v63  }
0x150: {  	s30 =	sadd.s32 $0x900, s17;
	s29 =	sand.u32 $0x1FFFFFF0, s28;
	s1 =	sadd.s32 s5, s26  }
0x151: {  	[tilespmem:s30], [sflag:$0x1] =	stream.linear.gather [hbm4b:s1+s2], $0x80, $0x38;
	[tilespmem:$0x10200] =	vst v63  }
0x152: {  	s31 =	sadd.s32 $0x980, s17;
	s0 =	sadd.s32 s5, s29  }
0x153: {  	[tilespmem:s31], [sflag:$0x1] =	stream.linear.gather [hbm4b:s0+s2], $0x80, $0x38;
	[tilespmem:$0x10200] =	vst v63  }
0x154: {  	s16 =	sadd.s32 $0x1, s16;
	_ =	swait.ge [sflag:s14], $0x10000  }
0x155: {  	p0 =	sne.s32 s16, s12;
	[sflag:s14] =	ssyncset.done $0x0  }
.Ltmp3:
0x156: {  	[sflag:s14] =	ssyncadd.s32 $0xFFFF0000;
	(pc) =	sbr.rel @p0 .LBB2_1-.Ltmp3, $4  }
0x157: {  	[hbm4b:s11+s2] =	stream.linear.scatter [tilespmem:s15], [sflag:$0x2], $0x10000, $0x38;
	[tilespmem:$0x10200] =	vst v63  }
0x158: {  	_ =	swait.ge [sflag:s13], $0x10000  }
0x159: {  	[sflag:s13] =	ssyncset.done $0x0  }
0x15a: {  	[sflag:s13] =	ssyncadd.s32 $0xFFFF0000  }
0x15b: {  	_ =	sfence.sel $0x180000  }
0x15c: {  	[bflag:$0x0] =	sbarrier.arrive $0xFFFF  }
0x15d: {  	_ =	strace $0x90000047  }
0x15e: {  	s0 =	stileid.u32;
	[bflag:$0x2] =	sbarrier.arrive $0xFFFF  }
0x15f: {  	p0 =	sne.s32 s0, $0x0;
	s0 =	rddreg [dreg:$0x4]  }
0x160: {  	s0 =	sadd.s32 @!p0 $0x100000, s0  }
0x161: {  	[sflag:s0] =	ssyncadd.tile.s32 @!p0 $0x1;
	_ =	shalt  }
.Lfunc_end2:
_tile_overlayer_lowered:
.L_overlay_start_2:
0x162: {  	(tag) =	ssettag $0x2  }
0x163: {  	s0 =	rddreg [dreg:$0x0];
	s2 =	stileid.u32  }
0x164: {  	s1 =	rddreg [dreg:$0x1];
	p0 =	sne.s32 s2, $0x0  }
0x165: {  	s3 =	rddreg [dreg:$0x2];
	[bflag:$0x3] =	sbarrier.arrive $0xFFFF;
	s2 =	simm.s32 @!p0 $0x1C02  }
0x166: {  	[timem:s3], [sflag:s2] =	dma.local @!p0 [hbm:s0], s1  }
0x167: {  	s0 =	simm.s32 @!p0 $0x2  }
0x168: {  	_ =	swait.ge @!p0 [sflag:s0], s1  }
0x169: {  	s1 =	ssub.s32 @!p0 $0x0, s1;
	[sflag:s0] =	ssyncset.done @!p0 $0x0  }
0x16a: {  	[sflag:s0] =	ssyncadd.s32 @!p0 s1  }
0x16b: {  	[bflag:$0x3] =	sbarrier.arrive $0xFFFF  }
0x16c: {  	_ =	shalt  }

</sc_bundles>
